<compile_context>
chip_gen: v7x
topology: tpu7x:2x2x1
jax: 0.10.2.dev20260603
libtpu: 0.0.44.dev20260713+nightly
codegen_flags: <defaults>
</compile_context>

<pallas_src>
import functools

import jax
import jax.numpy as jnp
from jax import lax
from jax.experimental import pallas as pl
from jax.experimental.pallas import tpu as pltpu
from jax.experimental.pallas import tpu_sc as plsc

B = 16384
D = 32
L = 16
NC = 2
NS = 16
NW = NC * NS
BPW = B // NW
CHUNK = 128
NCH = BPW // CHUNK


def _mf_body(uid_hbm, iid_hbm, utab_hbm, itab_hbm, wb_hbm,
             out_hbm,
             idx_u, idx_i, urows, irows, outb, wbv, sem):
    wid = lax.axis_index("s") * NC + lax.axis_index("c")
    base = wid * BPW

    pltpu.sync_copy(uid_hbm.at[wid], idx_u)
    pltpu.sync_copy(iid_hbm.at[wid], idx_i)
    pltpu.sync_copy(wb_hbm, wbv)

    copies = []
    for c in range(NCH):
        copies.append(pltpu.async_copy(
            utab_hbm.at[idx_u.at[c]], urows.at[pl.ds(c * CHUNK, CHUNK)], sem))
        copies.append(pltpu.async_copy(
            itab_hbm.at[idx_i.at[c]], irows.at[pl.ds(c * CHUNK, CHUNK)], sem))
    for cp in copies:
        cp.wait()

    wv = wbv[0, :]
    bv = wbv[1, :]
    lane = lax.iota(jnp.int32, L)

    def body(g, carry):
        acc = jnp.zeros((L,), jnp.float32)
        for j in range(L):
            r = g * L + j
            u0 = urows[r, pl.ds(0, L)]
            u1 = urows[r, pl.ds(L, L)]
            i0 = irows[r, pl.ds(0, L)]
            i1 = irows[r, pl.ds(L, L)]
            p = u0 * i0 + u1 * i1
            s = jnp.sum(p)
            acc = jnp.where(lane == j, jnp.broadcast_to(s, (L,)), acc)
        outb[pl.ds(g * L, L)] = acc * wv + bv
        return carry

    lax.fori_loop(0, BPW // L, body, 0)

    pltpu.sync_copy(outb, out_hbm.at[pl.ds(base, BPW)])


_mf = functools.partial(
    pl.kernel,
    out_type=jax.ShapeDtypeStruct((B,), jnp.float32),
    mesh=plsc.VectorSubcoreMesh(core_axis_name="c", subcore_axis_name="s"),
    compiler_params=pltpu.CompilerParams(
        needs_layout_passes=False, use_tc_tiling_on_sc=False),
    scratch_types=[
        pltpu.VMEM((NCH, CHUNK), jnp.int32),
        pltpu.VMEM((NCH, CHUNK), jnp.int32),
        pltpu.VMEM((BPW, D), jnp.float32),
        pltpu.VMEM((BPW, D), jnp.float32),
        pltpu.VMEM((BPW,), jnp.float32),
        pltpu.VMEM((2, L), jnp.float32),
        pltpu.SemaphoreType.DMA,
    ],
)(_mf_body)


def kernel(user_ids, item_ids, user_table, item_table, dense_w, dense_b):
    uid = user_ids.astype(jnp.int32).reshape(NW, NCH, CHUNK)
    iid = item_ids.astype(jnp.int32).reshape(NW, NCH, CHUNK)
    w = jnp.broadcast_to(dense_w.reshape(()), (L,)).astype(jnp.float32)
    b = jnp.broadcast_to(dense_b.reshape(()), (L,)).astype(jnp.float32)
    wb = jnp.stack([w, b])
    out = _mf(uid, iid, user_table, item_table, wb)
    return out.reshape(B, 1)

# --- scband reference (transcript-rebuilt; emitter-appended) ---
"""Pipeline reference for scband-mf-81999515615650 (READ-ONLY COPY).

The authoritative reference and input builder live on the scoring server;
editing this copy changes nothing except your own understanding.
"""

import jax, jax.numpy as jnp
import numpy as np

USER_DIM = 1000000
ITEM_DIM = 1000000
EMBED_DIM = 32
BATCH = 16384


def setup_inputs(seed: int = 0) -> dict:
    key = jax.random.key(seed)
    k1, k2, k3, k4, k5, k6 = jax.random.split(key, 6)
    user_ids = jax.random.randint(k1, (BATCH,), 0, USER_DIM, dtype=jnp.int64 if jax.config.jax_enable_x64 else jnp.int32)
    item_ids = jax.random.randint(k2, (BATCH,), 0, ITEM_DIM, dtype=jnp.int64 if jax.config.jax_enable_x64 else jnp.int32)
    user_table = jax.random.normal(k3, (USER_DIM, EMBED_DIM), dtype=jnp.float32) * 0.05
    item_table = jax.random.normal(k4, (ITEM_DIM, EMBED_DIM), dtype=jnp.float32) * 0.05
    dense_w = jax.random.normal(k5, (1, 1), dtype=jnp.float32)
    dense_b = jnp.zeros((1,), dtype=jnp.float32)
    return {
        "user_ids": user_ids,
        "item_ids": item_ids,
        "user_table": user_table,
        "item_table": item_table,
        "dense_w": dense_w,
        "dense_b": dense_b,
    }


def reference(user_ids, item_ids, user_table, item_table, dense_w, dense_b):
    # user_vector: Embedding + Flatten ([B] -> [B, EMBED_DIM])
    user = jnp.take(user_table, user_ids, axis=0)
    item = jnp.take(item_table, item_ids, axis=0)
    # Dot(axes=1): batched inner product -> [B, 1]
    x = jnp.sum(user * item, axis=1, keepdims=True)
    # predict_layer: Dense(1)
    out = x @ dense_w + dense_b
    return out

if __name__ == "__main__":
    import jax
    _d = setup_inputs()
    print(jax.jit(kernel)(*tuple(_d.values())))

</pallas_src>

<mosaic_0001>
#map = affine_map<(d0, d1) -> (0, 0, 0)>
#map1 = affine_map<(d0, d1) -> (0, 0)>
#map2 = affine_map<(d0, d1) -> (0)>
module attributes {stable_mosaic.version = 14 : i64} {
  func.func @_mf_body(%arg0: i32, %arg1: i32, %arg2: memref<32x4x128xi32, #tpu.memory_space<hbm>>, %arg3: memref<32x4x128xi32, #tpu.memory_space<hbm>>, %arg4: memref<1000000x32xf32, #tpu.memory_space<hbm>>, %arg5: memref<1000000x32xf32, #tpu.memory_space<hbm>>, %arg6: memref<2x16xf32, #tpu.memory_space<hbm>>, %arg7: memref<16384xf32, #tpu.memory_space<hbm>>, %arg8: memref<4x128xi32, #tpu.memory_space<vmem>>, %arg9: memref<4x128xi32, #tpu.memory_space<vmem>>, %arg10: memref<512x32xf32, #tpu.memory_space<vmem>>, %arg11: memref<512x32xf32, #tpu.memory_space<vmem>>, %arg12: memref<512xf32, #tpu.memory_space<vmem>>, %arg13: memref<2x16xf32, #tpu.memory_space<vmem>>, %arg14: memref<!tpu.dma_semaphore, #tpu.memory_space<semaphore_mem>>) attributes {dimension_semantics = [#tpu.dimension_semantics<core_parallel>, #tpu.dimension_semantics<subcore_parallel>], iteration_bounds = array<i64: 2, 16>, scalar_prefetch = 0 : i64, scratch_operands = 7 : i64, tpu.core_type = #tpu.core_type<sc_vector_subcore>, window_params = [{transform_indices = #map}, {transform_indices = #map}, {transform_indices = #map1}, {transform_indices = #map1}, {transform_indices = #map1}, {transform_indices = #map2}]} {
    %mul3A = arith.constant 2 : i32
    %mul3A_0 = arith.muli %arg1, %mul3A : i32
    %add3A = arith.addi %mul3A_0, %arg0 : i32
    %mul3A_1 = arith.constant 512 : i32
    %mul3A_2 = arith.muli %add3A, %mul3A_1 : i32
    "tpu.region"() ({
      %run_scoped3A = tpu.sem_alloc : memref<!tpu.dma_semaphore, #tpu.memory_space<semaphore_mem>>
      %dma_start3A_173 = arith.constant 0 : i32
      %dma_start3A_174 = arith.constant 0 : i32
      %dma_start3A_175 = tpu.memref_slice %arg2[%add3A, %dma_start3A_173, %dma_start3A_174] : memref<32x4x128xi32, #tpu.memory_space<hbm>> -> memref<1x4x128xi32, #tpu.memory_space<hbm>>
      %dma_start3A_176 = tpu.memref_squeeze %dma_start3A_175 : memref<1x4x128xi32, #tpu.memory_space<hbm>> -> memref<4x128xi32, #tpu.memory_space<hbm>>
      %dma_start3A_177 = arith.constant 0 : i32
      %dma_start3A_178 = arith.constant 0 : i32
      %dma_start3A_179 = tpu.memref_slice %arg2[%add3A, %dma_start3A_177, %dma_start3A_178] : memref<32x4x128xi32, #tpu.memory_space<hbm>> -> memref<1x4x128xi32, #tpu.memory_space<hbm>>
      %dma_start3A_180 = tpu.memref_squeeze %dma_start3A_179 : memref<1x4x128xi32, #tpu.memory_space<hbm>> -> memref<4x128xi32, #tpu.memory_space<hbm>>
      tpu.enqueue_dma source(%dma_start3A_180 : memref<4x128xi32, #tpu.memory_space<hbm>>) target(%arg8 : memref<4x128xi32, #tpu.memory_space<vmem>>) target_semaphore(%run_scoped3A : memref<!tpu.dma_semaphore, #tpu.memory_space<semaphore_mem>>)
      %dma_wait3A_181 = arith.constant 0 : i32
      %dma_wait3A_182 = arith.constant 0 : i32
      %dma_wait3A_183 = tpu.memref_slice %arg2[%add3A, %dma_wait3A_181, %dma_wait3A_182] : memref<32x4x128xi32, #tpu.memory_space<hbm>> -> memref<1x4x128xi32, #tpu.memory_space<hbm>>
      %dma_wait3A_184 = tpu.memref_squeeze %dma_wait3A_183 : memref<1x4x128xi32, #tpu.memory_space<hbm>> -> memref<4x128xi32, #tpu.memory_space<hbm>>
      %dma_wait3A_185 = arith.constant 0 : i32
      %dma_wait3A_186 = arith.constant 0 : i32
      %dma_wait3A_187 = tpu.memref_slice %arg2[%add3A, %dma_wait3A_185, %dma_wait3A_186] : memref<32x4x128xi32, #tpu.memory_space<hbm>> -> memref<1x4x128xi32, #tpu.memory_space<hbm>>
      %dma_wait3A_188 = tpu.memref_squeeze %dma_wait3A_187 : memref<1x4x128xi32, #tpu.memory_space<hbm>> -> memref<4x128xi32, #tpu.memory_space<hbm>>
      tpu.wait_dma2 semaphore(%run_scoped3A : memref<!tpu.dma_semaphore, #tpu.memory_space<semaphore_mem>>) src(%dma_wait3A_188 : memref<4x128xi32, #tpu.memory_space<hbm>>) dst(%arg8 : memref<4x128xi32, #tpu.memory_space<vmem>>)
      tpu.yield
    }) : () -> ()
    "tpu.region"() ({
      %run_scoped3A = tpu.sem_alloc : memref<!tpu.dma_semaphore, #tpu.memory_space<semaphore_mem>>
      %dma_start3A_173 = arith.constant 0 : i32
      %dma_start3A_174 = arith.constant 0 : i32
      %dma_start3A_175 = tpu.memref_slice %arg3[%add3A, %dma_start3A_173, %dma_start3A_174] : memref<32x4x128xi32, #tpu.memory_space<hbm>> -> memref<1x4x128xi32, #tpu.memory_space<hbm>>
      %dma_start3A_176 = tpu.memref_squeeze %dma_start3A_175 : memref<1x4x128xi32, #tpu.memory_space<hbm>> -> memref<4x128xi32, #tpu.memory_space<hbm>>
      %dma_start3A_177 = arith.constant 0 : i32
      %dma_start3A_178 = arith.constant 0 : i32
      %dma_start3A_179 = tpu.memref_slice %arg3[%add3A, %dma_start3A_177, %dma_start3A_178] : memref<32x4x128xi32, #tpu.memory_space<hbm>> -> memref<1x4x128xi32, #tpu.memory_space<hbm>>
      %dma_start3A_180 = tpu.memref_squeeze %dma_start3A_179 : memref<1x4x128xi32, #tpu.memory_space<hbm>> -> memref<4x128xi32, #tpu.memory_space<hbm>>
      tpu.enqueue_dma source(%dma_start3A_180 : memref<4x128xi32, #tpu.memory_space<hbm>>) target(%arg9 : memref<4x128xi32, #tpu.memory_space<vmem>>) target_semaphore(%run_scoped3A : memref<!tpu.dma_semaphore, #tpu.memory_space<semaphore_mem>>)
      %dma_wait3A_181 = arith.constant 0 : i32
      %dma_wait3A_182 = arith.constant 0 : i32
      %dma_wait3A_183 = tpu.memref_slice %arg3[%add3A, %dma_wait3A_181, %dma_wait3A_182] : memref<32x4x128xi32, #tpu.memory_space<hbm>> -> memref<1x4x128xi32, #tpu.memory_space<hbm>>
      %dma_wait3A_184 = tpu.memref_squeeze %dma_wait3A_183 : memref<1x4x128xi32, #tpu.memory_space<hbm>> -> memref<4x128xi32, #tpu.memory_space<hbm>>
      %dma_wait3A_185 = arith.constant 0 : i32
      %dma_wait3A_186 = arith.constant 0 : i32
      %dma_wait3A_187 = tpu.memref_slice %arg3[%add3A, %dma_wait3A_185, %dma_wait3A_186] : memref<32x4x128xi32, #tpu.memory_space<hbm>> -> memref<1x4x128xi32, #tpu.memory_space<hbm>>
      %dma_wait3A_188 = tpu.memref_squeeze %dma_wait3A_187 : memref<1x4x128xi32, #tpu.memory_space<hbm>> -> memref<4x128xi32, #tpu.memory_space<hbm>>
      tpu.wait_dma2 semaphore(%run_scoped3A : memref<!tpu.dma_semaphore, #tpu.memory_space<semaphore_mem>>) src(%dma_wait3A_188 : memref<4x128xi32, #tpu.memory_space<hbm>>) dst(%arg9 : memref<4x128xi32, #tpu.memory_space<vmem>>)
      tpu.yield
    }) : () -> ()
    "tpu.region"() ({
      %run_scoped3A = tpu.sem_alloc : memref<!tpu.dma_semaphore, #tpu.memory_space<semaphore_mem>>
      tpu.enqueue_dma source(%arg6 : memref<2x16xf32, #tpu.memory_space<hbm>>) target(%arg13 : memref<2x16xf32, #tpu.memory_space<vmem>>) target_semaphore(%run_scoped3A : memref<!tpu.dma_semaphore, #tpu.memory_space<semaphore_mem>>)
      tpu.wait_dma2 semaphore(%run_scoped3A : memref<!tpu.dma_semaphore, #tpu.memory_space<semaphore_mem>>) src(%arg6 : memref<2x16xf32, #tpu.memory_space<hbm>>) dst(%arg13 : memref<2x16xf32, #tpu.memory_space<vmem>>)
      tpu.yield
    }) : () -> ()
    %dma_start3A = arith.constant 0 : i32
    %dma_start3A_3 = arith.constant 0 : i32
    %dma_start3A_4 = arith.constant 0 : i32
    %dma_start3A_5 = tpu.memref_slice %arg10[%dma_start3A_3, %dma_start3A_4] : memref<512x32xf32, #tpu.memory_space<vmem>> -> memref<128x32xf32, #tpu.memory_space<vmem>>
    %dma_start3A_6 = arith.constant 0 : i32
    %dma_start3A_7 = tpu.memref_slice %arg8[%dma_start3A, %dma_start3A_6] : memref<4x128xi32, #tpu.memory_space<vmem>> -> memref<1x128xi32, #tpu.memory_space<vmem>>
    %dma_start3A_8 = tpu.memref_squeeze %dma_start3A_7 : memref<1x128xi32, #tpu.memory_space<vmem>> -> memref<128xi32, #tpu.memory_space<vmem>>
    %dma_start3A_9 = arith.constant 0 : i32
    %dma_start3A_10 = arith.constant 0 : i32
    %dma_start3A_11 = tpu.memref_slice %arg4[%dma_start3A_9, %dma_start3A_10] : memref<1000000x32xf32, #tpu.memory_space<hbm>> -> memref<1000000x32xf32, #tpu.memory_space<hbm>>
    tpu.enqueue_indirect_dma source(%dma_start3A_11 : memref<1000000x32xf32, #tpu.memory_space<hbm>>) target(%dma_start3A_5 : memref<128x32xf32, #tpu.memory_space<vmem>>) offsets(%dma_start3A_8 : memref<128xi32, #tpu.memory_space<vmem>>) semaphore(%arg14 : memref<!tpu.dma_semaphore, #tpu.memory_space<semaphore_mem>>)
    %dma_start3A_12 = arith.constant 0 : i32
    %dma_start3A_13 = arith.constant 0 : i32
    %dma_start3A_14 = arith.constant 0 : i32
    %dma_start3A_15 = tpu.memref_slice %arg11[%dma_start3A_13, %dma_start3A_14] : memref<512x32xf32, #tpu.memory_space<vmem>> -> memref<128x32xf32, #tpu.memory_space<vmem>>
    %dma_start3A_16 = arith.constant 0 : i32
    %dma_start3A_17 = tpu.memref_slice %arg9[%dma_start3A_12, %dma_start3A_16] : memref<4x128xi32, #tpu.memory_space<vmem>> -> memref<1x128xi32, #tpu.memory_space<vmem>>
    %dma_start3A_18 = tpu.memref_squeeze %dma_start3A_17 : memref<1x128xi32, #tpu.memory_space<vmem>> -> memref<128xi32, #tpu.memory_space<vmem>>
    %dma_start3A_19 = arith.constant 0 : i32
    %dma_start3A_20 = arith.constant 0 : i32
    %dma_start3A_21 = tpu.memref_slice %arg5[%dma_start3A_19, %dma_start3A_20] : memref<1000000x32xf32, #tpu.memory_space<hbm>> -> memref<1000000x32xf32, #tpu.memory_space<hbm>>
    tpu.enqueue_indirect_dma source(%dma_start3A_21 : memref<1000000x32xf32, #tpu.memory_space<hbm>>) target(%dma_start3A_15 : memref<128x32xf32, #tpu.memory_space<vmem>>) offsets(%dma_start3A_18 : memref<128xi32, #tpu.memory_space<vmem>>) semaphore(%arg14 : memref<!tpu.dma_semaphore, #tpu.memory_space<semaphore_mem>>)
    %dma_start3A_22 = arith.constant 1 : i32
    %dma_start3A_23 = arith.constant 128 : i32
    %dma_start3A_24 = arith.constant 0 : i32
    %dma_start3A_25 = tpu.memref_slice %arg10[%dma_start3A_23, %dma_start3A_24] : memref<512x32xf32, #tpu.memory_space<vmem>> -> memref<128x32xf32, #tpu.memory_space<vmem>>
    %dma_start3A_26 = arith.constant 0 : i32
    %dma_start3A_27 = tpu.memref_slice %arg8[%dma_start3A_22, %dma_start3A_26] : memref<4x128xi32, #tpu.memory_space<vmem>> -> memref<1x128xi32, #tpu.memory_space<vmem>>
    %dma_start3A_28 = tpu.memref_squeeze %dma_start3A_27 : memref<1x128xi32, #tpu.memory_space<vmem>> -> memref<128xi32, #tpu.memory_space<vmem>>
    %dma_start3A_29 = arith.constant 0 : i32
    %dma_start3A_30 = arith.constant 0 : i32
    %dma_start3A_31 = tpu.memref_slice %arg4[%dma_start3A_29, %dma_start3A_30] : memref<1000000x32xf32, #tpu.memory_space<hbm>> -> memref<1000000x32xf32, #tpu.memory_space<hbm>>
    tpu.enqueue_indirect_dma source(%dma_start3A_31 : memref<1000000x32xf32, #tpu.memory_space<hbm>>) target(%dma_start3A_25 : memref<128x32xf32, #tpu.memory_space<vmem>>) offsets(%dma_start3A_28 : memref<128xi32, #tpu.memory_space<vmem>>) semaphore(%arg14 : memref<!tpu.dma_semaphore, #tpu.memory_space<semaphore_mem>>)
    %dma_start3A_32 = arith.constant 1 : i32
    %dma_start3A_33 = arith.constant 128 : i32
    %dma_start3A_34 = arith.constant 0 : i32
    %dma_start3A_35 = tpu.memref_slice %arg11[%dma_start3A_33, %dma_start3A_34] : memref<512x32xf32, #tpu.memory_space<vmem>> -> memref<128x32xf32, #tpu.memory_space<vmem>>
    %dma_start3A_36 = arith.constant 0 : i32
    %dma_start3A_37 = tpu.memref_slice %arg9[%dma_start3A_32, %dma_start3A_36] : memref<4x128xi32, #tpu.memory_space<vmem>> -> memref<1x128xi32, #tpu.memory_space<vmem>>
    %dma_start3A_38 = tpu.memref_squeeze %dma_start3A_37 : memref<1x128xi32, #tpu.memory_space<vmem>> -> memref<128xi32, #tpu.memory_space<vmem>>
    %dma_start3A_39 = arith.constant 0 : i32
    %dma_start3A_40 = arith.constant 0 : i32
    %dma_start3A_41 = tpu.memref_slice %arg5[%dma_start3A_39, %dma_start3A_40] : memref<1000000x32xf32, #tpu.memory_space<hbm>> -> memref<1000000x32xf32, #tpu.memory_space<hbm>>
    tpu.enqueue_indirect_dma source(%dma_start3A_41 : memref<1000000x32xf32, #tpu.memory_space<hbm>>) target(%dma_start3A_35 : memref<128x32xf32, #tpu.memory_space<vmem>>) offsets(%dma_start3A_38 : memref<128xi32, #tpu.memory_space<vmem>>) semaphore(%arg14 : memref<!tpu.dma_semaphore, #tpu.memory_space<semaphore_mem>>)
    %dma_start3A_42 = arith.constant 2 : i32
    %dma_start3A_43 = arith.constant 256 : i32
    %dma_start3A_44 = arith.constant 0 : i32
    %dma_start3A_45 = tpu.memref_slice %arg10[%dma_start3A_43, %dma_start3A_44] : memref<512x32xf32, #tpu.memory_space<vmem>> -> memref<128x32xf32, #tpu.memory_space<vmem>>
    %dma_start3A_46 = arith.constant 0 : i32
    %dma_start3A_47 = tpu.memref_slice %arg8[%dma_start3A_42, %dma_start3A_46] : memref<4x128xi32, #tpu.memory_space<vmem>> -> memref<1x128xi32, #tpu.memory_space<vmem>>
    %dma_start3A_48 = tpu.memref_squeeze %dma_start3A_47 : memref<1x128xi32, #tpu.memory_space<vmem>> -> memref<128xi32, #tpu.memory_space<vmem>>
    %dma_start3A_49 = arith.constant 0 : i32
    %dma_start3A_50 = arith.constant 0 : i32
    %dma_start3A_51 = tpu.memref_slice %arg4[%dma_start3A_49, %dma_start3A_50] : memref<1000000x32xf32, #tpu.memory_space<hbm>> -> memref<1000000x32xf32, #tpu.memory_space<hbm>>
    tpu.enqueue_indirect_dma source(%dma_start3A_51 : memref<1000000x32xf32, #tpu.memory_space<hbm>>) target(%dma_start3A_45 : memref<128x32xf32, #tpu.memory_space<vmem>>) offsets(%dma_start3A_48 : memref<128xi32, #tpu.memory_space<vmem>>) semaphore(%arg14 : memref<!tpu.dma_semaphore, #tpu.memory_space<semaphore_mem>>)
    %dma_start3A_52 = arith.constant 2 : i32
    %dma_start3A_53 = arith.constant 256 : i32
    %dma_start3A_54 = arith.constant 0 : i32
    %dma_start3A_55 = tpu.memref_slice %arg11[%dma_start3A_53, %dma_start3A_54] : memref<512x32xf32, #tpu.memory_space<vmem>> -> memref<128x32xf32, #tpu.memory_space<vmem>>
    %dma_start3A_56 = arith.constant 0 : i32
    %dma_start3A_57 = tpu.memref_slice %arg9[%dma_start3A_52, %dma_start3A_56] : memref<4x128xi32, #tpu.memory_space<vmem>> -> memref<1x128xi32, #tpu.memory_space<vmem>>
    %dma_start3A_58 = tpu.memref_squeeze %dma_start3A_57 : memref<1x128xi32, #tpu.memory_space<vmem>> -> memref<128xi32, #tpu.memory_space<vmem>>
    %dma_start3A_59 = arith.constant 0 : i32
    %dma_start3A_60 = arith.constant 0 : i32
    %dma_start3A_61 = tpu.memref_slice %arg5[%dma_start3A_59, %dma_start3A_60] : memref<1000000x32xf32, #tpu.memory_space<hbm>> -> memref<1000000x32xf32, #tpu.memory_space<hbm>>
    tpu.enqueue_indirect_dma source(%dma_start3A_61 : memref<1000000x32xf32, #tpu.memory_space<hbm>>) target(%dma_start3A_55 : memref<128x32xf32, #tpu.memory_space<vmem>>) offsets(%dma_start3A_58 : memref<128xi32, #tpu.memory_space<vmem>>) semaphore(%arg14 : memref<!tpu.dma_semaphore, #tpu.memory_space<semaphore_mem>>)
    %dma_start3A_62 = arith.constant 3 : i32
    %dma_start3A_63 = arith.constant 384 : i32
    %dma_start3A_64 = arith.constant 0 : i32
    %dma_start3A_65 = tpu.memref_slice %arg10[%dma_start3A_63, %dma_start3A_64] : memref<512x32xf32, #tpu.memory_space<vmem>> -> memref<128x32xf32, #tpu.memory_space<vmem>>
    %dma_start3A_66 = arith.constant 0 : i32
    %dma_start3A_67 = tpu.memref_slice %arg8[%dma_start3A_62, %dma_start3A_66] : memref<4x128xi32, #tpu.memory_space<vmem>> -> memref<1x128xi32, #tpu.memory_space<vmem>>
    %dma_start3A_68 = tpu.memref_squeeze %dma_start3A_67 : memref<1x128xi32, #tpu.memory_space<vmem>> -> memref<128xi32, #tpu.memory_space<vmem>>
    %dma_start3A_69 = arith.constant 0 : i32
    %dma_start3A_70 = arith.constant 0 : i32
    %dma_start3A_71 = tpu.memref_slice %arg4[%dma_start3A_69, %dma_start3A_70] : memref<1000000x32xf32, #tpu.memory_space<hbm>> -> memref<1000000x32xf32, #tpu.memory_space<hbm>>
    tpu.enqueue_indirect_dma source(%dma_start3A_71 : memref<1000000x32xf32, #tpu.memory_space<hbm>>) target(%dma_start3A_65 : memref<128x32xf32, #tpu.memory_space<vmem>>) offsets(%dma_start3A_68 : memref<128xi32, #tpu.memory_space<vmem>>) semaphore(%arg14 : memref<!tpu.dma_semaphore, #tpu.memory_space<semaphore_mem>>)
    %dma_start3A_72 = arith.constant 3 : i32
    %dma_start3A_73 = arith.constant 384 : i32
    %dma_start3A_74 = arith.constant 0 : i32
    %dma_start3A_75 = tpu.memref_slice %arg11[%dma_start3A_73, %dma_start3A_74] : memref<512x32xf32, #tpu.memory_space<vmem>> -> memref<128x32xf32, #tpu.memory_space<vmem>>
    %dma_start3A_76 = arith.constant 0 : i32
    %dma_start3A_77 = tpu.memref_slice %arg9[%dma_start3A_72, %dma_start3A_76] : memref<4x128xi32, #tpu.memory_space<vmem>> -> memref<1x128xi32, #tpu.memory_space<vmem>>
    %dma_start3A_78 = tpu.memref_squeeze %dma_start3A_77 : memref<1x128xi32, #tpu.memory_space<vmem>> -> memref<128xi32, #tpu.memory_space<vmem>>
    %dma_start3A_79 = arith.constant 0 : i32
    %dma_start3A_80 = arith.constant 0 : i32
    %dma_start3A_81 = tpu.memref_slice %arg5[%dma_start3A_79, %dma_start3A_80] : memref<1000000x32xf32, #tpu.memory_space<hbm>> -> memref<1000000x32xf32, #tpu.memory_space<hbm>>
    tpu.enqueue_indirect_dma source(%dma_start3A_81 : memref<1000000x32xf32, #tpu.memory_space<hbm>>) target(%dma_start3A_75 : memref<128x32xf32, #tpu.memory_space<vmem>>) offsets(%dma_start3A_78 : memref<128xi32, #tpu.memory_space<vmem>>) semaphore(%arg14 : memref<!tpu.dma_semaphore, #tpu.memory_space<semaphore_mem>>)
    %dma_wait3A = arith.constant 0 : i32
    %dma_wait3A_82 = arith.constant 0 : i32
    %dma_wait3A_83 = arith.constant 0 : i32
    %dma_wait3A_84 = tpu.memref_slice %arg10[%dma_wait3A_82, %dma_wait3A_83] : memref<512x32xf32, #tpu.memory_space<vmem>> -> memref<128x32xf32, #tpu.memory_space<vmem>>
    %dma_wait3A_85 = arith.constant 0 : i32
    %dma_wait3A_86 = tpu.memref_slice %arg8[%dma_wait3A, %dma_wait3A_85] : memref<4x128xi32, #tpu.memory_space<vmem>> -> memref<1x128xi32, #tpu.memory_space<vmem>>
    %dma_wait3A_87 = tpu.memref_squeeze %dma_wait3A_86 : memref<1x128xi32, #tpu.memory_space<vmem>> -> memref<128xi32, #tpu.memory_space<vmem>>
    %dma_wait3A_88 = arith.constant 0 : i32
    %dma_wait3A_89 = arith.constant 0 : i32
    %dma_wait3A_90 = tpu.memref_slice %arg4[%dma_wait3A_88, %dma_wait3A_89] : memref<1000000x32xf32, #tpu.memory_space<hbm>> -> memref<1000000x32xf32, #tpu.memory_space<hbm>>
    tpu.wait_indirect_dma semaphore(%arg14 : memref<!tpu.dma_semaphore, #tpu.memory_space<semaphore_mem>>) src(%dma_wait3A_90 : memref<1000000x32xf32, #tpu.memory_space<hbm>>) dst(%dma_wait3A_84 : memref<128x32xf32, #tpu.memory_space<vmem>>)
    %dma_wait3A_91 = arith.constant 0 : i32
    %dma_wait3A_92 = arith.constant 0 : i32
    %dma_wait3A_93 = arith.constant 0 : i32
    %dma_wait3A_94 = tpu.memref_slice %arg11[%dma_wait3A_92, %dma_wait3A_93] : memref<512x32xf32, #tpu.memory_space<vmem>> -> memref<128x32xf32, #tpu.memory_space<vmem>>
    %dma_wait3A_95 = arith.constant 0 : i32
    %dma_wait3A_96 = tpu.memref_slice %arg9[%dma_wait3A_91, %dma_wait3A_95] : memref<4x128xi32, #tpu.memory_space<vmem>> -> memref<1x128xi32, #tpu.memory_space<vmem>>
    %dma_wait3A_97 = tpu.memref_squeeze %dma_wait3A_96 : memref<1x128xi32, #tpu.memory_space<vmem>> -> memref<128xi32, #tpu.memory_space<vmem>>
    %dma_wait3A_98 = arith.constant 0 : i32
    %dma_wait3A_99 = arith.constant 0 : i32
    %dma_wait3A_100 = tpu.memref_slice %arg5[%dma_wait3A_98, %dma_wait3A_99] : memref<1000000x32xf32, #tpu.memory_space<hbm>> -> memref<1000000x32xf32, #tpu.memory_space<hbm>>
    tpu.wait_indirect_dma semaphore(%arg14 : memref<!tpu.dma_semaphore, #tpu.memory_space<semaphore_mem>>) src(%dma_wait3A_100 : memref<1000000x32xf32, #tpu.memory_space<hbm>>) dst(%dma_wait3A_94 : memref<128x32xf32, #tpu.memory_space<vmem>>)
    %dma_wait3A_101 = arith.constant 1 : i32
    %dma_wait3A_102 = arith.constant 128 : i32
    %dma_wait3A_103 = arith.constant 0 : i32
    %dma_wait3A_104 = tpu.memref_slice %arg10[%dma_wait3A_102, %dma_wait3A_103] : memref<512x32xf32, #tpu.memory_space<vmem>> -> memref<128x32xf32, #tpu.memory_space<vmem>>
    %dma_wait3A_105 = arith.constant 0 : i32
    %dma_wait3A_106 = tpu.memref_slice %arg8[%dma_wait3A_101, %dma_wait3A_105] : memref<4x128xi32, #tpu.memory_space<vmem>> -> memref<1x128xi32, #tpu.memory_space<vmem>>
    %dma_wait3A_107 = tpu.memref_squeeze %dma_wait3A_106 : memref<1x128xi32, #tpu.memory_space<vmem>> -> memref<128xi32, #tpu.memory_space<vmem>>
    %dma_wait3A_108 = arith.constant 0 : i32
    %dma_wait3A_109 = arith.constant 0 : i32
    %dma_wait3A_110 = tpu.memref_slice %arg4[%dma_wait3A_108, %dma_wait3A_109] : memref<1000000x32xf32, #tpu.memory_space<hbm>> -> memref<1000000x32xf32, #tpu.memory_space<hbm>>
    tpu.wait_indirect_dma semaphore(%arg14 : memref<!tpu.dma_semaphore, #tpu.memory_space<semaphore_mem>>) src(%dma_wait3A_110 : memref<1000000x32xf32, #tpu.memory_space<hbm>>) dst(%dma_wait3A_104 : memref<128x32xf32, #tpu.memory_space<vmem>>)
    %dma_wait3A_111 = arith.constant 1 : i32
    %dma_wait3A_112 = arith.constant 128 : i32
    %dma_wait3A_113 = arith.constant 0 : i32
    %dma_wait3A_114 = tpu.memref_slice %arg11[%dma_wait3A_112, %dma_wait3A_113] : memref<512x32xf32, #tpu.memory_space<vmem>> -> memref<128x32xf32, #tpu.memory_space<vmem>>
    %dma_wait3A_115 = arith.constant 0 : i32
    %dma_wait3A_116 = tpu.memref_slice %arg9[%dma_wait3A_111, %dma_wait3A_115] : memref<4x128xi32, #tpu.memory_space<vmem>> -> memref<1x128xi32, #tpu.memory_space<vmem>>
    %dma_wait3A_117 = tpu.memref_squeeze %dma_wait3A_116 : memref<1x128xi32, #tpu.memory_space<vmem>> -> memref<128xi32, #tpu.memory_space<vmem>>
    %dma_wait3A_118 = arith.constant 0 : i32
    %dma_wait3A_119 = arith.constant 0 : i32
    %dma_wait3A_120 = tpu.memref_slice %arg5[%dma_wait3A_118, %dma_wait3A_119] : memref<1000000x32xf32, #tpu.memory_space<hbm>> -> memref<1000000x32xf32, #tpu.memory_space<hbm>>
    tpu.wait_indirect_dma semaphore(%arg14 : memref<!tpu.dma_semaphore, #tpu.memory_space<semaphore_mem>>) src(%dma_wait3A_120 : memref<1000000x32xf32, #tpu.memory_space<hbm>>) dst(%dma_wait3A_114 : memref<128x32xf32, #tpu.memory_space<vmem>>)
    %dma_wait3A_121 = arith.constant 2 : i32
    %dma_wait3A_122 = arith.constant 256 : i32
    %dma_wait3A_123 = arith.constant 0 : i32
    %dma_wait3A_124 = tpu.memref_slice %arg10[%dma_wait3A_122, %dma_wait3A_123] : memref<512x32xf32, #tpu.memory_space<vmem>> -> memref<128x32xf32, #tpu.memory_space<vmem>>
    %dma_wait3A_125 = arith.constant 0 : i32
    %dma_wait3A_126 = tpu.memref_slice %arg8[%dma_wait3A_121, %dma_wait3A_125] : memref<4x128xi32, #tpu.memory_space<vmem>> -> memref<1x128xi32, #tpu.memory_space<vmem>>
    %dma_wait3A_127 = tpu.memref_squeeze %dma_wait3A_126 : memref<1x128xi32, #tpu.memory_space<vmem>> -> memref<128xi32, #tpu.memory_space<vmem>>
    %dma_wait3A_128 = arith.constant 0 : i32
    %dma_wait3A_129 = arith.constant 0 : i32
    %dma_wait3A_130 = tpu.memref_slice %arg4[%dma_wait3A_128, %dma_wait3A_129] : memref<1000000x32xf32, #tpu.memory_space<hbm>> -> memref<1000000x32xf32, #tpu.memory_space<hbm>>
    tpu.wait_indirect_dma semaphore(%arg14 : memref<!tpu.dma_semaphore, #tpu.memory_space<semaphore_mem>>) src(%dma_wait3A_130 : memref<1000000x32xf32, #tpu.memory_space<hbm>>) dst(%dma_wait3A_124 : memref<128x32xf32, #tpu.memory_space<vmem>>)
    %dma_wait3A_131 = arith.constant 2 : i32
    %dma_wait3A_132 = arith.constant 256 : i32
    %dma_wait3A_133 = arith.constant 0 : i32
    %dma_wait3A_134 = tpu.memref_slice %arg11[%dma_wait3A_132, %dma_wait3A_133] : memref<512x32xf32, #tpu.memory_space<vmem>> -> memref<128x32xf32, #tpu.memory_space<vmem>>
    %dma_wait3A_135 = arith.constant 0 : i32
    %dma_wait3A_136 = tpu.memref_slice %arg9[%dma_wait3A_131, %dma_wait3A_135] : memref<4x128xi32, #tpu.memory_space<vmem>> -> memref<1x128xi32, #tpu.memory_space<vmem>>
    %dma_wait3A_137 = tpu.memref_squeeze %dma_wait3A_136 : memref<1x128xi32, #tpu.memory_space<vmem>> -> memref<128xi32, #tpu.memory_space<vmem>>
    %dma_wait3A_138 = arith.constant 0 : i32
    %dma_wait3A_139 = arith.constant 0 : i32
    %dma_wait3A_140 = tpu.memref_slice %arg5[%dma_wait3A_138, %dma_wait3A_139] : memref<1000000x32xf32, #tpu.memory_space<hbm>> -> memref<1000000x32xf32, #tpu.memory_space<hbm>>
    tpu.wait_indirect_dma semaphore(%arg14 : memref<!tpu.dma_semaphore, #tpu.memory_space<semaphore_mem>>) src(%dma_wait3A_140 : memref<1000000x32xf32, #tpu.memory_space<hbm>>) dst(%dma_wait3A_134 : memref<128x32xf32, #tpu.memory_space<vmem>>)
    %dma_wait3A_141 = arith.constant 3 : i32
    %dma_wait3A_142 = arith.constant 384 : i32
    %dma_wait3A_143 = arith.constant 0 : i32
    %dma_wait3A_144 = tpu.memref_slice %arg10[%dma_wait3A_142, %dma_wait3A_143] : memref<512x32xf32, #tpu.memory_space<vmem>> -> memref<128x32xf32, #tpu.memory_space<vmem>>
    %dma_wait3A_145 = arith.constant 0 : i32
    %dma_wait3A_146 = tpu.memref_slice %arg8[%dma_wait3A_141, %dma_wait3A_145] : memref<4x128xi32, #tpu.memory_space<vmem>> -> memref<1x128xi32, #tpu.memory_space<vmem>>
    %dma_wait3A_147 = tpu.memref_squeeze %dma_wait3A_146 : memref<1x128xi32, #tpu.memory_space<vmem>> -> memref<128xi32, #tpu.memory_space<vmem>>
    %dma_wait3A_148 = arith.constant 0 : i32
    %dma_wait3A_149 = arith.constant 0 : i32
    %dma_wait3A_150 = tpu.memref_slice %arg4[%dma_wait3A_148, %dma_wait3A_149] : memref<1000000x32xf32, #tpu.memory_space<hbm>> -> memref<1000000x32xf32, #tpu.memory_space<hbm>>
    tpu.wait_indirect_dma semaphore(%arg14 : memref<!tpu.dma_semaphore, #tpu.memory_space<semaphore_mem>>) src(%dma_wait3A_150 : memref<1000000x32xf32, #tpu.memory_space<hbm>>) dst(%dma_wait3A_144 : memref<128x32xf32, #tpu.memory_space<vmem>>)
    %dma_wait3A_151 = arith.constant 3 : i32
    %dma_wait3A_152 = arith.constant 384 : i32
    %dma_wait3A_153 = arith.constant 0 : i32
    %dma_wait3A_154 = tpu.memref_slice %arg11[%dma_wait3A_152, %dma_wait3A_153] : memref<512x32xf32, #tpu.memory_space<vmem>> -> memref<128x32xf32, #tpu.memory_space<vmem>>
    %dma_wait3A_155 = arith.constant 0 : i32
    %dma_wait3A_156 = tpu.memref_slice %arg9[%dma_wait3A_151, %dma_wait3A_155] : memref<4x128xi32, #tpu.memory_space<vmem>> -> memref<1x128xi32, #tpu.memory_space<vmem>>
    %dma_wait3A_157 = tpu.memref_squeeze %dma_wait3A_156 : memref<1x128xi32, #tpu.memory_space<vmem>> -> memref<128xi32, #tpu.memory_space<vmem>>
    %dma_wait3A_158 = arith.constant 0 : i32
    %dma_wait3A_159 = arith.constant 0 : i32
    %dma_wait3A_160 = tpu.memref_slice %arg5[%dma_wait3A_158, %dma_wait3A_159] : memref<1000000x32xf32, #tpu.memory_space<hbm>> -> memref<1000000x32xf32, #tpu.memory_space<hbm>>
    tpu.wait_indirect_dma semaphore(%arg14 : memref<!tpu.dma_semaphore, #tpu.memory_space<semaphore_mem>>) src(%dma_wait3A_160 : memref<1000000x32xf32, #tpu.memory_space<hbm>>) dst(%dma_wait3A_154 : memref<128x32xf32, #tpu.memory_space<vmem>>)
    %get3A = arith.constant 0 : i32
    %get3A_161 = arith.index_cast %get3A : i32 to index
    %get3A_162 = arith.constant 0 : index
    %get3A_163 = tpu.vector_load %arg13[%get3A_161, %get3A_162] {strides = array<i32>} : memref<2x16xf32, #tpu.memory_space<vmem>>, vector<16xf32>,
    %get3A_164 = arith.constant 1 : i32
    %get3A_165 = arith.index_cast %get3A_164 : i32 to index
    %get3A_166 = arith.constant 0 : index
    %get3A_167 = tpu.vector_load %arg13[%get3A_165, %get3A_166] {strides = array<i32>} : memref<2x16xf32, #tpu.memory_space<vmem>>, vector<16xf32>,
    %iota3A = tpu.iota {dimensions = array<i32: 0>} : vector<16xi32>
    %scan3A = arith.constant 0 : i32
    %scan3A_168 = arith.constant 0 : i32
    %scan3A_169 = arith.constant 32 : i32
    %scan3A_170 = arith.addi %scan3A_168, %scan3A_169 : i32
    %scan3A_171 = arith.constant 1 : i32
    scf.for %scan3A_173 = %scan3A_168 to %scan3A_170 step %scan3A_171  : i32 {
      %broadcast_in_dim3A = arith.constant 0.000000e+00 : f32
      %broadcast_in_dim3A_174 = vector.broadcast %broadcast_in_dim3A : f32 to vector<16xf32>
      %mul3A_175 = arith.constant 16 : i32
      %mul3A_176 = arith.muli %scan3A_173, %mul3A_175 : i32
      %add3A_177 = arith.constant 0 : i32
      %add3A_178 = arith.addi %mul3A_176, %add3A_177 : i32
      %get3A_179 = arith.index_cast %add3A_178 : i32 to index
      %get3A_180 = arith.constant 0 : index
      %get3A_181 = tpu.vector_load %arg10[%get3A_179, %get3A_180] {strides = array<i32>} : memref<512x32xf32, #tpu.memory_space<vmem>>, vector<16xf32>,
      %get3A_182 = arith.index_cast %add3A_178 : i32 to index
      %get3A_183 = arith.constant 16 : index
      %get3A_184 = tpu.vector_load %arg10[%get3A_182, %get3A_183] {strides = array<i32>} : memref<512x32xf32, #tpu.memory_space<vmem>>, vector<16xf32>,
      %get3A_185 = arith.index_cast %add3A_178 : i32 to index
      %get3A_186 = arith.constant 0 : index
      %get3A_187 = tpu.vector_load %arg11[%get3A_185, %get3A_186] {strides = array<i32>} : memref<512x32xf32, #tpu.memory_space<vmem>>, vector<16xf32>,
      %get3A_188 = arith.index_cast %add3A_178 : i32 to index
      %get3A_189 = arith.constant 16 : index
      %get3A_190 = tpu.vector_load %arg11[%get3A_188, %get3A_189] {strides = array<i32>} : memref<512x32xf32, #tpu.memory_space<vmem>>, vector<16xf32>,
      %mul3A_191 = arith.mulf %get3A_181, %get3A_187 : vector<16xf32>
      %mul3A_192 = arith.mulf %get3A_184, %get3A_190 : vector<16xf32>
      %add3A_193 = arith.addf %mul3A_191, %mul3A_192 : vector<16xf32>
      %reduce_sum3A = arith.constant true
      %reduce_sum3A_194 = vector.broadcast %reduce_sum3A : i1 to vector<16xi1>
      %reduce_sum3A_195 = tpu.scan <sum>, %add3A_193 masked %reduce_sum3A_194 : vector<16xf32>, vector<16xi1> -> vector<16xf32>
      %reduce_sum3A_196 = vector.extract %reduce_sum3A_195[15] : f32 from vector<16xf32>
      %eq3A = arith.constant 0 : i32
      %eq3A_197 = vector.broadcast %eq3A : i32 to vector<16xi32>
      %eq3A_198 = arith.cmpi eq, %iota3A, %eq3A_197 : vector<16xi32>
      %broadcast_in_dim3A_199 = vector.broadcast %reduce_sum3A_196 : f32 to vector<16xf32>
      %select_n3A = arith.select %eq3A_198, %broadcast_in_dim3A_199, %broadcast_in_dim3A_174 : vector<16xi1>, vector<16xf32>
      %mul3A_200 = arith.constant 16 : i32
      %mul3A_201 = arith.muli %scan3A_173, %mul3A_200 : i32
      %add3A_202 = arith.constant 1 : i32
      %add3A_203 = arith.addi %mul3A_201, %add3A_202 : i32
      %get3A_204 = arith.index_cast %add3A_203 : i32 to index
      %get3A_205 = arith.constant 0 : index
      %get3A_206 = tpu.vector_load %arg10[%get3A_204, %get3A_205] {strides = array<i32>} : memref<512x32xf32, #tpu.memory_space<vmem>>, vector<16xf32>,
      %get3A_207 = arith.index_cast %add3A_203 : i32 to index
      %get3A_208 = arith.constant 16 : index
      %get3A_209 = tpu.vector_load %arg10[%get3A_207, %get3A_208] {strides = array<i32>} : memref<512x32xf32, #tpu.memory_space<vmem>>, vector<16xf32>,
      %get3A_210 = arith.index_cast %add3A_203 : i32 to index
      %get3A_211 = arith.constant 0 : index
      %get3A_212 = tpu.vector_load %arg11[%get3A_210, %get3A_211] {strides = array<i32>} : memref<512x32xf32, #tpu.memory_space<vmem>>, vector<16xf32>,
      %get3A_213 = arith.index_cast %add3A_203 : i32 to index
      %get3A_214 = arith.constant 16 : index
      %get3A_215 = tpu.vector_load %arg11[%get3A_213, %get3A_214] {strides = array<i32>} : memref<512x32xf32, #tpu.memory_space<vmem>>, vector<16xf32>,
      %mul3A_216 = arith.mulf %get3A_206, %get3A_212 : vector<16xf32>
      %mul3A_217 = arith.mulf %get3A_209, %get3A_215 : vector<16xf32>
      %add3A_218 = arith.addf %mul3A_216, %mul3A_217 : vector<16xf32>
      %reduce_sum3A_219 = arith.constant true
      %reduce_sum3A_220 = vector.broadcast %reduce_sum3A_219 : i1 to vector<16xi1>
      %reduce_sum3A_221 = tpu.scan <sum>, %add3A_218 masked %reduce_sum3A_220 : vector<16xf32>, vector<16xi1> -> vector<16xf32>
      %reduce_sum3A_222 = vector.extract %reduce_sum3A_221[15] : f32 from vector<16xf32>
      %eq3A_223 = arith.constant 1 : i32
      %eq3A_224 = vector.broadcast %eq3A_223 : i32 to vector<16xi32>
      %eq3A_225 = arith.cmpi eq, %iota3A, %eq3A_224 : vector<16xi32>
      %broadcast_in_dim3A_226 = vector.broadcast %reduce_sum3A_222 : f32 to vector<16xf32>
      %select_n3A_227 = arith.select %eq3A_225, %broadcast_in_dim3A_226, %select_n3A : vector<16xi1>, vector<16xf32>
      %mul3A_228 = arith.constant 16 : i32
      %mul3A_229 = arith.muli %scan3A_173, %mul3A_228 : i32
      %add3A_230 = arith.constant 2 : i32
      %add3A_231 = arith.addi %mul3A_229, %add3A_230 : i32
      %get3A_232 = arith.index_cast %add3A_231 : i32 to index
      %get3A_233 = arith.constant 0 : index
      %get3A_234 = tpu.vector_load %arg10[%get3A_232, %get3A_233] {strides = array<i32>} : memref<512x32xf32, #tpu.memory_space<vmem>>, vector<16xf32>,
      %get3A_235 = arith.index_cast %add3A_231 : i32 to index
      %get3A_236 = arith.constant 16 : index
      %get3A_237 = tpu.vector_load %arg10[%get3A_235, %get3A_236] {strides = array<i32>} : memref<512x32xf32, #tpu.memory_space<vmem>>, vector<16xf32>,
      %get3A_238 = arith.index_cast %add3A_231 : i32 to index
      %get3A_239 = arith.constant 0 : index
      %get3A_240 = tpu.vector_load %arg11[%get3A_238, %get3A_239] {strides = array<i32>} : memref<512x32xf32, #tpu.memory_space<vmem>>, vector<16xf32>,
      %get3A_241 = arith.index_cast %add3A_231 : i32 to index
      %get3A_242 = arith.constant 16 : index
      %get3A_243 = tpu.vector_load %arg11[%get3A_241, %get3A_242] {strides = array<i32>} : memref<512x32xf32, #tpu.memory_space<vmem>>, vector<16xf32>,
      %mul3A_244 = arith.mulf %get3A_234, %get3A_240 : vector<16xf32>
      %mul3A_245 = arith.mulf %get3A_237, %get3A_243 : vector<16xf32>
      %add3A_246 = arith.addf %mul3A_244, %mul3A_245 : vector<16xf32>
      %reduce_sum3A_247 = arith.constant true
      %reduce_sum3A_248 = vector.broadcast %reduce_sum3A_247 : i1 to vector<16xi1>
      %reduce_sum3A_249 = tpu.scan <sum>, %add3A_246 masked %reduce_sum3A_248 : vector<16xf32>, vector<16xi1> -> vector<16xf32>
      %reduce_sum3A_250 = vector.extract %reduce_sum3A_249[15] : f32 from vector<16xf32>
      %eq3A_251 = arith.constant 2 : i32
      %eq3A_252 = vector.broadcast %eq3A_251 : i32 to vector<16xi32>
      %eq3A_253 = arith.cmpi eq, %iota3A, %eq3A_252 : vector<16xi32>
      %broadcast_in_dim3A_254 = vector.broadcast %reduce_sum3A_250 : f32 to vector<16xf32>
      %select_n3A_255 = arith.select %eq3A_253, %broadcast_in_dim3A_254, %select_n3A_227 : vector<16xi1>, vector<16xf32>
      %mul3A_256 = arith.constant 16 : i32
      %mul3A_257 = arith.muli %scan3A_173, %mul3A_256 : i32
      %add3A_258 = arith.constant 3 : i32
      %add3A_259 = arith.addi %mul3A_257, %add3A_258 : i32
      %get3A_260 = arith.index_cast %add3A_259 : i32 to index
      %get3A_261 = arith.constant 0 : index
      %get3A_262 = tpu.vector_load %arg10[%get3A_260, %get3A_261] {strides = array<i32>} : memref<512x32xf32, #tpu.memory_space<vmem>>, vector<16xf32>,
      %get3A_263 = arith.index_cast %add3A_259 : i32 to index
      %get3A_264 = arith.constant 16 : index
      %get3A_265 = tpu.vector_load %arg10[%get3A_263, %get3A_264] {strides = array<i32>} : memref<512x32xf32, #tpu.memory_space<vmem>>, vector<16xf32>,
      %get3A_266 = arith.index_cast %add3A_259 : i32 to index
      %get3A_267 = arith.constant 0 : index
      %get3A_268 = tpu.vector_load %arg11[%get3A_266, %get3A_267] {strides = array<i32>} : memref<512x32xf32, #tpu.memory_space<vmem>>, vector<16xf32>,
      %get3A_269 = arith.index_cast %add3A_259 : i32 to index
      %get3A_270 = arith.constant 16 : index
      %get3A_271 = tpu.vector_load %arg11[%get3A_269, %get3A_270] {strides = array<i32>} : memref<512x32xf32, #tpu.memory_space<vmem>>, vector<16xf32>,
      %mul3A_272 = arith.mulf %get3A_262, %get3A_268 : vector<16xf32>
      %mul3A_273 = arith.mulf %get3A_265, %get3A_271 : vector<16xf32>
      %add3A_274 = arith.addf %mul3A_272, %mul3A_273 : vector<16xf32>
      %reduce_sum3A_275 = arith.constant true
      %reduce_sum3A_276 = vector.broadcast %reduce_sum3A_275 : i1 to vector<16xi1>
      %reduce_sum3A_277 = tpu.scan <sum>, %add3A_274 masked %reduce_sum3A_276 : vector<16xf32>, vector<16xi1> -> vector<16xf32>
      %reduce_sum3A_278 = vector.extract %reduce_sum3A_277[15] : f32 from vector<16xf32>
      %eq3A_279 = arith.constant 3 : i32
      %eq3A_280 = vector.broadcast %eq3A_279 : i32 to vector<16xi32>
      %eq3A_281 = arith.cmpi eq, %iota3A, %eq3A_280 : vector<16xi32>
      %broadcast_in_dim3A_282 = vector.broadcast %reduce_sum3A_278 : f32 to vector<16xf32>
      %select_n3A_283 = arith.select %eq3A_281, %broadcast_in_dim3A_282, %select_n3A_255 : vector<16xi1>, vector<16xf32>
      %mul3A_284 = arith.constant 16 : i32
      %mul3A_285 = arith.muli %scan3A_173, %mul3A_284 : i32
      %add3A_286 = arith.constant 4 : i32
      %add3A_287 = arith.addi %mul3A_285, %add3A_286 : i32
      %get3A_288 = arith.index_cast %add3A_287 : i32 to index
      %get3A_289 = arith.constant 0 : index
      %get3A_290 = tpu.vector_load %arg10[%get3A_288, %get3A_289] {strides = array<i32>} : memref<512x32xf32, #tpu.memory_space<vmem>>, vector<16xf32>,
      %get3A_291 = arith.index_cast %add3A_287 : i32 to index
      %get3A_292 = arith.constant 16 : index
      %get3A_293 = tpu.vector_load %arg10[%get3A_291, %get3A_292] {strides = array<i32>} : memref<512x32xf32, #tpu.memory_space<vmem>>, vector<16xf32>,
      %get3A_294 = arith.index_cast %add3A_287 : i32 to index
      %get3A_295 = arith.constant 0 : index
      %get3A_296 = tpu.vector_load %arg11[%get3A_294, %get3A_295] {strides = array<i32>} : memref<512x32xf32, #tpu.memory_space<vmem>>, vector<16xf32>,
      %get3A_297 = arith.index_cast %add3A_287 : i32 to index
      %get3A_298 = arith.constant 16 : index
      %get3A_299 = tpu.vector_load %arg11[%get3A_297, %get3A_298] {strides = array<i32>} : memref<512x32xf32, #tpu.memory_space<vmem>>, vector<16xf32>,
      %mul3A_300 = arith.mulf %get3A_290, %get3A_296 : vector<16xf32>
      %mul3A_301 = arith.mulf %get3A_293, %get3A_299 : vector<16xf32>
      %add3A_302 = arith.addf %mul3A_300, %mul3A_301 : vector<16xf32>
      %reduce_sum3A_303 = arith.constant true
      %reduce_sum3A_304 = vector.broadcast %reduce_sum3A_303 : i1 to vector<16xi1>
      %reduce_sum3A_305 = tpu.scan <sum>, %add3A_302 masked %reduce_sum3A_304 : vector<16xf32>, vector<16xi1> -> vector<16xf32>
      %reduce_sum3A_306 = vector.extract %reduce_sum3A_305[15] : f32 from vector<16xf32>
      %eq3A_307 = arith.constant 4 : i32
      %eq3A_308 = vector.broadcast %eq3A_307 : i32 to vector<16xi32>
      %eq3A_309 = arith.cmpi eq, %iota3A, %eq3A_308 : vector<16xi32>
      %broadcast_in_dim3A_310 = vector.broadcast %reduce_sum3A_306 : f32 to vector<16xf32>
      %select_n3A_311 = arith.select %eq3A_309, %broadcast_in_dim3A_310, %select_n3A_283 : vector<16xi1>, vector<16xf32>
      %mul3A_312 = arith.constant 16 : i32
      %mul3A_313 = arith.muli %scan3A_173, %mul3A_312 : i32
      %add3A_314 = arith.constant 5 : i32
      %add3A_315 = arith.addi %mul3A_313, %add3A_314 : i32
      %get3A_316 = arith.index_cast %add3A_315 : i32 to index
      %get3A_317 = arith.constant 0 : index
      %get3A_318 = tpu.vector_load %arg10[%get3A_316, %get3A_317] {strides = array<i32>} : memref<512x32xf32, #tpu.memory_space<vmem>>, vector<16xf32>,
      %get3A_319 = arith.index_cast %add3A_315 : i32 to index
      %get3A_320 = arith.constant 16 : index
      %get3A_321 = tpu.vector_load %arg10[%get3A_319, %get3A_320] {strides = array<i32>} : memref<512x32xf32, #tpu.memory_space<vmem>>, vector<16xf32>,
      %get3A_322 = arith.index_cast %add3A_315 : i32 to index
      %get3A_323 = arith.constant 0 : index
      %get3A_324 = tpu.vector_load %arg11[%get3A_322, %get3A_323] {strides = array<i32>} : memref<512x32xf32, #tpu.memory_space<vmem>>, vector<16xf32>,
      %get3A_325 = arith.index_cast %add3A_315 : i32 to index
      %get3A_326 = arith.constant 16 : index
      %get3A_327 = tpu.vector_load %arg11[%get3A_325, %get3A_326] {strides = array<i32>} : memref<512x32xf32, #tpu.memory_space<vmem>>, vector<16xf32>,
      %mul3A_328 = arith.mulf %get3A_318, %get3A_324 : vector<16xf32>
      %mul3A_329 = arith.mulf %get3A_321, %get3A_327 : vector<16xf32>
      %add3A_330 = arith.addf %mul3A_328, %mul3A_329 : vector<16xf32>
      %reduce_sum3A_331 = arith.constant true
      %reduce_sum3A_332 = vector.broadcast %reduce_sum3A_331 : i1 to vector<16xi1>
      %reduce_sum3A_333 = tpu.scan <sum>, %add3A_330 masked %reduce_sum3A_332 : vector<16xf32>, vector<16xi1> -> vector<16xf32>
      %reduce_sum3A_334 = vector.extract %reduce_sum3A_333[15] : f32 from vector<16xf32>
      %eq3A_335 = arith.constant 5 : i32
      %eq3A_336 = vector.broadcast %eq3A_335 : i32 to vector<16xi32>
      %eq3A_337 = arith.cmpi eq, %iota3A, %eq3A_336 : vector<16xi32>
      %broadcast_in_dim3A_338 = vector.broadcast %reduce_sum3A_334 : f32 to vector<16xf32>
      %select_n3A_339 = arith.select %eq3A_337, %broadcast_in_dim3A_338, %select_n3A_311 : vector<16xi1>, vector<16xf32>
      %mul3A_340 = arith.constant 16 : i32
      %mul3A_341 = arith.muli %scan3A_173, %mul3A_340 : i32
      %add3A_342 = arith.constant 6 : i32
      %add3A_343 = arith.addi %mul3A_341, %add3A_342 : i32
      %get3A_344 = arith.index_cast %add3A_343 : i32 to index
      %get3A_345 = arith.constant 0 : index
      %get3A_346 = tpu.vector_load %arg10[%get3A_344, %get3A_345] {strides = array<i32>} : memref<512x32xf32, #tpu.memory_space<vmem>>, vector<16xf32>,
      %get3A_347 = arith.index_cast %add3A_343 : i32 to index
      %get3A_348 = arith.constant 16 : index
      %get3A_349 = tpu.vector_load %arg10[%get3A_347, %get3A_348] {strides = array<i32>} : memref<512x32xf32, #tpu.memory_space<vmem>>, vector<16xf32>,
      %get3A_350 = arith.index_cast %add3A_343 : i32 to index
      %get3A_351 = arith.constant 0 : index
      %get3A_352 = tpu.vector_load %arg11[%get3A_350, %get3A_351] {strides = array<i32>} : memref<512x32xf32, #tpu.memory_space<vmem>>, vector<16xf32>,
      %get3A_353 = arith.index_cast %add3A_343 : i32 to index
      %get3A_354 = arith.constant 16 : index
      %get3A_355 = tpu.vector_load %arg11[%get3A_353, %get3A_354] {strides = array<i32>} : memref<512x32xf32, #tpu.memory_space<vmem>>, vector<16xf32>,
      %mul3A_356 = arith.mulf %get3A_346, %get3A_352 : vector<16xf32>
      %mul3A_357 = arith.mulf %get3A_349, %get3A_355 : vector<16xf32>
      %add3A_358 = arith.addf %mul3A_356, %mul3A_357 : vector<16xf32>
      %reduce_sum3A_359 = arith.constant true
      %reduce_sum3A_360 = vector.broadcast %reduce_sum3A_359 : i1 to vector<16xi1>
      %reduce_sum3A_361 = tpu.scan <sum>, %add3A_358 masked %reduce_sum3A_360 : vector<16xf32>, vector<16xi1> -> vector<16xf32>
      %reduce_sum3A_362 = vector.extract %reduce_sum3A_361[15] : f32 from vector<16xf32>
      %eq3A_363 = arith.constant 6 : i32
      %eq3A_364 = vector.broadcast %eq3A_363 : i32 to vector<16xi32>
      %eq3A_365 = arith.cmpi eq, %iota3A, %eq3A_364 : vector<16xi32>
      %broadcast_in_dim3A_366 = vector.broadcast %reduce_sum3A_362 : f32 to vector<16xf32>
      %select_n3A_367 = arith.select %eq3A_365, %broadcast_in_dim3A_366, %select_n3A_339 : vector<16xi1>, vector<16xf32>
      %mul3A_368 = arith.constant 16 : i32
      %mul3A_369 = arith.muli %scan3A_173, %mul3A_368 : i32
      %add3A_370 = arith.constant 7 : i32
      %add3A_371 = arith.addi %mul3A_369, %add3A_370 : i32
      %get3A_372 = arith.index_cast %add3A_371 : i32 to index
      %get3A_373 = arith.constant 0 : index
      %get3A_374 = tpu.vector_load %arg10[%get3A_372, %get3A_373] {strides = array<i32>} : memref<512x32xf32, #tpu.memory_space<vmem>>, vector<16xf32>,
      %get3A_375 = arith.index_cast %add3A_371 : i32 to index
      %get3A_376 = arith.constant 16 : index
      %get3A_377 = tpu.vector_load %arg10[%get3A_375, %get3A_376] {strides = array<i32>} : memref<512x32xf32, #tpu.memory_space<vmem>>, vector<16xf32>,
      %get3A_378 = arith.index_cast %add3A_371 : i32 to index
      %get3A_379 = arith.constant 0 : index
      %get3A_380 = tpu.vector_load %arg11[%get3A_378, %get3A_379] {strides = array<i32>} : memref<512x32xf32, #tpu.memory_space<vmem>>, vector<16xf32>,
      %get3A_381 = arith.index_cast %add3A_371 : i32 to index
      %get3A_382 = arith.constant 16 : index
      %get3A_383 = tpu.vector_load %arg11[%get3A_381, %get3A_382] {strides = array<i32>} : memref<512x32xf32, #tpu.memory_space<vmem>>, vector<16xf32>,
      %mul3A_384 = arith.mulf %get3A_374, %get3A_380 : vector<16xf32>
      %mul3A_385 = arith.mulf %get3A_377, %get3A_383 : vector<16xf32>
      %add3A_386 = arith.addf %mul3A_384, %mul3A_385 : vector<16xf32>
      %reduce_sum3A_387 = arith.constant true
      %reduce_sum3A_388 = vector.broadcast %reduce_sum3A_387 : i1 to vector<16xi1>
      %reduce_sum3A_389 = tpu.scan <sum>, %add3A_386 masked %reduce_sum3A_388 : vector<16xf32>, vector<16xi1> -> vector<16xf32>
      %reduce_sum3A_390 = vector.extract %reduce_sum3A_389[15] : f32 from vector<16xf32>
      %eq3A_391 = arith.constant 7 : i32
      %eq3A_392 = vector.broadcast %eq3A_391 : i32 to vector<16xi32>
      %eq3A_393 = arith.cmpi eq, %iota3A, %eq3A_392 : vector<16xi32>
      %broadcast_in_dim3A_394 = vector.broadcast %reduce_sum3A_390 : f32 to vector<16xf32>
      %select_n3A_395 = arith.select %eq3A_393, %broadcast_in_dim3A_394, %select_n3A_367 : vector<16xi1>, vector<16xf32>
      %mul3A_396 = arith.constant 16 : i32
      %mul3A_397 = arith.muli %scan3A_173, %mul3A_396 : i32
      %add3A_398 = arith.constant 8 : i32
      %add3A_399 = arith.addi %mul3A_397, %add3A_398 : i32
      %get3A_400 = arith.index_cast %add3A_399 : i32 to index
      %get3A_401 = arith.constant 0 : index
      %get3A_402 = tpu.vector_load %arg10[%get3A_400, %get3A_401] {strides = array<i32>} : memref<512x32xf32, #tpu.memory_space<vmem>>, vector<16xf32>,
      %get3A_403 = arith.index_cast %add3A_399 : i32 to index
      %get3A_404 = arith.constant 16 : index
      %get3A_405 = tpu.vector_load %arg10[%get3A_403, %get3A_404] {strides = array<i32>} : memref<512x32xf32, #tpu.memory_space<vmem>>, vector<16xf32>,
      %get3A_406 = arith.index_cast %add3A_399 : i32 to index
      %get3A_407 = arith.constant 0 : index
      %get3A_408 = tpu.vector_load %arg11[%get3A_406, %get3A_407] {strides = array<i32>} : memref<512x32xf32, #tpu.memory_space<vmem>>, vector<16xf32>,
      %get3A_409 = arith.index_cast %add3A_399 : i32 to index
      %get3A_410 = arith.constant 16 : index
      %get3A_411 = tpu.vector_load %arg11[%get3A_409, %get3A_410] {strides = array<i32>} : memref<512x32xf32, #tpu.memory_space<vmem>>, vector<16xf32>,
      %mul3A_412 = arith.mulf %get3A_402, %get3A_408 : vector<16xf32>
      %mul3A_413 = arith.mulf %get3A_405, %get3A_411 : vector<16xf32>
      %add3A_414 = arith.addf %mul3A_412, %mul3A_413 : vector<16xf32>
      %reduce_sum3A_415 = arith.constant true
      %reduce_sum3A_416 = vector.broadcast %reduce_sum3A_415 : i1 to vector<16xi1>
      %reduce_sum3A_417 = tpu.scan <sum>, %add3A_414 masked %reduce_sum3A_416 : vector<16xf32>, vector<16xi1> -> vector<16xf32>
      %reduce_sum3A_418 = vector.extract %reduce_sum3A_417[15] : f32 from vector<16xf32>
      %eq3A_419 = arith.constant 8 : i32
      %eq3A_420 = vector.broadcast %eq3A_419 : i32 to vector<16xi32>
      %eq3A_421 = arith.cmpi eq, %iota3A, %eq3A_420 : vector<16xi32>
      %broadcast_in_dim3A_422 = vector.broadcast %reduce_sum3A_418 : f32 to vector<16xf32>
      %select_n3A_423 = arith.select %eq3A_421, %broadcast_in_dim3A_422, %select_n3A_395 : vector<16xi1>, vector<16xf32>
      %mul3A_424 = arith.constant 16 : i32
      %mul3A_425 = arith.muli %scan3A_173, %mul3A_424 : i32
      %add3A_426 = arith.constant 9 : i32
      %add3A_427 = arith.addi %mul3A_425, %add3A_426 : i32
      %get3A_428 = arith.index_cast %add3A_427 : i32 to index
      %get3A_429 = arith.constant 0 : index
      %get3A_430 = tpu.vector_load %arg10[%get3A_428, %get3A_429] {strides = array<i32>} : memref<512x32xf32, #tpu.memory_space<vmem>>, vector<16xf32>,
      %get3A_431 = arith.index_cast %add3A_427 : i32 to index
      %get3A_432 = arith.constant 16 : index
      %get3A_433 = tpu.vector_load %arg10[%get3A_431, %get3A_432] {strides = array<i32>} : memref<512x32xf32, #tpu.memory_space<vmem>>, vector<16xf32>,
      %get3A_434 = arith.index_cast %add3A_427 : i32 to index
      %get3A_435 = arith.constant 0 : index
      %get3A_436 = tpu.vector_load %arg11[%get3A_434, %get3A_435] {strides = array<i32>} : memref<512x32xf32, #tpu.memory_space<vmem>>, vector<16xf32>,
      %get3A_437 = arith.index_cast %add3A_427 : i32 to index
      %get3A_438 = arith.constant 16 : index
      %get3A_439 = tpu.vector_load %arg11[%get3A_437, %get3A_438] {strides = array<i32>} : memref<512x32xf32, #tpu.memory_space<vmem>>, vector<16xf32>,
      %mul3A_440 = arith.mulf %get3A_430, %get3A_436 : vector<16xf32>
      %mul3A_441 = arith.mulf %get3A_433, %get3A_439 : vector<16xf32>
      %add3A_442 = arith.addf %mul3A_440, %mul3A_441 : vector<16xf32>
      %reduce_sum3A_443 = arith.constant true
      %reduce_sum3A_444 = vector.broadcast %reduce_sum3A_443 : i1 to vector<16xi1>
      %reduce_sum3A_445 = tpu.scan <sum>, %add3A_442 masked %reduce_sum3A_444 : vector<16xf32>, vector<16xi1> -> vector<16xf32>
      %reduce_sum3A_446 = vector.extract %reduce_sum3A_445[15] : f32 from vector<16xf32>
      %eq3A_447 = arith.constant 9 : i32
      %eq3A_448 = vector.broadcast %eq3A_447 : i32 to vector<16xi32>
      %eq3A_449 = arith.cmpi eq, %iota3A, %eq3A_448 : vector<16xi32>
      %broadcast_in_dim3A_450 = vector.broadcast %reduce_sum3A_446 : f32 to vector<16xf32>
      %select_n3A_451 = arith.select %eq3A_449, %broadcast_in_dim3A_450, %select_n3A_423 : vector<16xi1>, vector<16xf32>
      %mul3A_452 = arith.constant 16 : i32
      %mul3A_453 = arith.muli %scan3A_173, %mul3A_452 : i32
      %add3A_454 = arith.constant 10 : i32
      %add3A_455 = arith.addi %mul3A_453, %add3A_454 : i32
      %get3A_456 = arith.index_cast %add3A_455 : i32 to index
      %get3A_457 = arith.constant 0 : index
      %get3A_458 = tpu.vector_load %arg10[%get3A_456, %get3A_457] {strides = array<i32>} : memref<512x32xf32, #tpu.memory_space<vmem>>, vector<16xf32>,
      %get3A_459 = arith.index_cast %add3A_455 : i32 to index
      %get3A_460 = arith.constant 16 : index
      %get3A_461 = tpu.vector_load %arg10[%get3A_459, %get3A_460] {strides = array<i32>} : memref<512x32xf32, #tpu.memory_space<vmem>>, vector<16xf32>,
      %get3A_462 = arith.index_cast %add3A_455 : i32 to index
      %get3A_463 = arith.constant 0 : index
      %get3A_464 = tpu.vector_load %arg11[%get3A_462, %get3A_463] {strides = array<i32>} : memref<512x32xf32, #tpu.memory_space<vmem>>, vector<16xf32>,
      %get3A_465 = arith.index_cast %add3A_455 : i32 to index
      %get3A_466 = arith.constant 16 : index
      %get3A_467 = tpu.vector_load %arg11[%get3A_465, %get3A_466] {strides = array<i32>} : memref<512x32xf32, #tpu.memory_space<vmem>>, vector<16xf32>,
      %mul3A_468 = arith.mulf %get3A_458, %get3A_464 : vector<16xf32>
      %mul3A_469 = arith.mulf %get3A_461, %get3A_467 : vector<16xf32>
      %add3A_470 = arith.addf %mul3A_468, %mul3A_469 : vector<16xf32>
      %reduce_sum3A_471 = arith.constant true
      %reduce_sum3A_472 = vector.broadcast %reduce_sum3A_471 : i1 to vector<16xi1>
      %reduce_sum3A_473 = tpu.scan <sum>, %add3A_470 masked %reduce_sum3A_472 : vector<16xf32>, vector<16xi1> -> vector<16xf32>
      %reduce_sum3A_474 = vector.extract %reduce_sum3A_473[15] : f32 from vector<16xf32>
      %eq3A_475 = arith.constant 10 : i32
      %eq3A_476 = vector.broadcast %eq3A_475 : i32 to vector<16xi32>
      %eq3A_477 = arith.cmpi eq, %iota3A, %eq3A_476 : vector<16xi32>
      %broadcast_in_dim3A_478 = vector.broadcast %reduce_sum3A_474 : f32 to vector<16xf32>
      %select_n3A_479 = arith.select %eq3A_477, %broadcast_in_dim3A_478, %select_n3A_451 : vector<16xi1>, vector<16xf32>
      %mul3A_480 = arith.constant 16 : i32
      %mul3A_481 = arith.muli %scan3A_173, %mul3A_480 : i32
      %add3A_482 = arith.constant 11 : i32
      %add3A_483 = arith.addi %mul3A_481, %add3A_482 : i32
      %get3A_484 = arith.index_cast %add3A_483 : i32 to index
      %get3A_485 = arith.constant 0 : index
      %get3A_486 = tpu.vector_load %arg10[%get3A_484, %get3A_485] {strides = array<i32>} : memref<512x32xf32, #tpu.memory_space<vmem>>, vector<16xf32>,
      %get3A_487 = arith.index_cast %add3A_483 : i32 to index
      %get3A_488 = arith.constant 16 : index
      %get3A_489 = tpu.vector_load %arg10[%get3A_487, %get3A_488] {strides = array<i32>} : memref<512x32xf32, #tpu.memory_space<vmem>>, vector<16xf32>,
      %get3A_490 = arith.index_cast %add3A_483 : i32 to index
      %get3A_491 = arith.constant 0 : index
      %get3A_492 = tpu.vector_load %arg11[%get3A_490, %get3A_491] {strides = array<i32>} : memref<512x32xf32, #tpu.memory_space<vmem>>, vector<16xf32>,
      %get3A_493 = arith.index_cast %add3A_483 : i32 to index
      %get3A_494 = arith.constant 16 : index
      %get3A_495 = tpu.vector_load %arg11[%get3A_493, %get3A_494] {strides = array<i32>} : memref<512x32xf32, #tpu.memory_space<vmem>>, vector<16xf32>,
      %mul3A_496 = arith.mulf %get3A_486, %get3A_492 : vector<16xf32>
      %mul3A_497 = arith.mulf %get3A_489, %get3A_495 : vector<16xf32>
      %add3A_498 = arith.addf %mul3A_496, %mul3A_497 : vector<16xf32>
      %reduce_sum3A_499 = arith.constant true
      %reduce_sum3A_500 = vector.broadcast %reduce_sum3A_499 : i1 to vector<16xi1>
      %reduce_sum3A_501 = tpu.scan <sum>, %add3A_498 masked %reduce_sum3A_500 : vector<16xf32>, vector<16xi1> -> vector<16xf32>
      %reduce_sum3A_502 = vector.extract %reduce_sum3A_501[15] : f32 from vector<16xf32>
      %eq3A_503 = arith.constant 11 : i32
      %eq3A_504 = vector.broadcast %eq3A_503 : i32 to vector<16xi32>
      %eq3A_505 = arith.cmpi eq, %iota3A, %eq3A_504 : vector<16xi32>
      %broadcast_in_dim3A_506 = vector.broadcast %reduce_sum3A_502 : f32 to vector<16xf32>
      %select_n3A_507 = arith.select %eq3A_505, %broadcast_in_dim3A_506, %select_n3A_479 : vector<16xi1>, vector<16xf32>
      %mul3A_508 = arith.constant 16 : i32
      %mul3A_509 = arith.muli %scan3A_173, %mul3A_508 : i32
      %add3A_510 = arith.constant 12 : i32
      %add3A_511 = arith.addi %mul3A_509, %add3A_510 : i32
      %get3A_512 = arith.index_cast %add3A_511 : i32 to index
      %get3A_513 = arith.constant 0 : index
      %get3A_514 = tpu.vector_load %arg10[%get3A_512, %get3A_513] {strides = array<i32>} : memref<512x32xf32, #tpu.memory_space<vmem>>, vector<16xf32>,
      %get3A_515 = arith.index_cast %add3A_511 : i32 to index
      %get3A_516 = arith.constant 16 : index
      %get3A_517 = tpu.vector_load %arg10[%get3A_515, %get3A_516] {strides = array<i32>} : memref<512x32xf32, #tpu.memory_space<vmem>>, vector<16xf32>,
      %get3A_518 = arith.index_cast %add3A_511 : i32 to index
      %get3A_519 = arith.constant 0 : index
      %get3A_520 = tpu.vector_load %arg11[%get3A_518, %get3A_519] {strides = array<i32>} : memref<512x32xf32, #tpu.memory_space<vmem>>, vector<16xf32>,
      %get3A_521 = arith.index_cast %add3A_511 : i32 to index
      %get3A_522 = arith.constant 16 : index
      %get3A_523 = tpu.vector_load %arg11[%get3A_521, %get3A_522] {strides = array<i32>} : memref<512x32xf32, #tpu.memory_space<vmem>>, vector<16xf32>,
      %mul3A_524 = arith.mulf %get3A_514, %get3A_520 : vector<16xf32>
      %mul3A_525 = arith.mulf %get3A_517, %get3A_523 : vector<16xf32>
      %add3A_526 = arith.addf %mul3A_524, %mul3A_525 : vector<16xf32>
      %reduce_sum3A_527 = arith.constant true
      %reduce_sum3A_528 = vector.broadcast %reduce_sum3A_527 : i1 to vector<16xi1>
      %reduce_sum3A_529 = tpu.scan <sum>, %add3A_526 masked %reduce_sum3A_528 : vector<16xf32>, vector<16xi1> -> vector<16xf32>
      %reduce_sum3A_530 = vector.extract %reduce_sum3A_529[15] : f32 from vector<16xf32>
      %eq3A_531 = arith.constant 12 : i32
      %eq3A_532 = vector.broadcast %eq3A_531 : i32 to vector<16xi32>
      %eq3A_533 = arith.cmpi eq, %iota3A, %eq3A_532 : vector<16xi32>
      %broadcast_in_dim3A_534 = vector.broadcast %reduce_sum3A_530 : f32 to vector<16xf32>
      %select_n3A_535 = arith.select %eq3A_533, %broadcast_in_dim3A_534, %select_n3A_507 : vector<16xi1>, vector<16xf32>
      %mul3A_536 = arith.constant 16 : i32
      %mul3A_537 = arith.muli %scan3A_173, %mul3A_536 : i32
      %add3A_538 = arith.constant 13 : i32
      %add3A_539 = arith.addi %mul3A_537, %add3A_538 : i32
      %get3A_540 = arith.index_cast %add3A_539 : i32 to index
      %get3A_541 = arith.constant 0 : index
      %get3A_542 = tpu.vector_load %arg10[%get3A_540, %get3A_541] {strides = array<i32>} : memref<512x32xf32, #tpu.memory_space<vmem>>, vector<16xf32>,
      %get3A_543 = arith.index_cast %add3A_539 : i32 to index
      %get3A_544 = arith.constant 16 : index
      %get3A_545 = tpu.vector_load %arg10[%get3A_543, %get3A_544] {strides = array<i32>} : memref<512x32xf32, #tpu.memory_space<vmem>>, vector<16xf32>,
      %get3A_546 = arith.index_cast %add3A_539 : i32 to index
      %get3A_547 = arith.constant 0 : index
      %get3A_548 = tpu.vector_load %arg11[%get3A_546, %get3A_547] {strides = array<i32>} : memref<512x32xf32, #tpu.memory_space<vmem>>, vector<16xf32>,
      %get3A_549 = arith.index_cast %add3A_539 : i32 to index
      %get3A_550 = arith.constant 16 : index
      %get3A_551 = tpu.vector_load %arg11[%get3A_549, %get3A_550] {strides = array<i32>} : memref<512x32xf32, #tpu.memory_space<vmem>>, vector<16xf32>,
      %mul3A_552 = arith.mulf %get3A_542, %get3A_548 : vector<16xf32>
      %mul3A_553 = arith.mulf %get3A_545, %get3A_551 : vector<16xf32>
      %add3A_554 = arith.addf %mul3A_552, %mul3A_553 : vector<16xf32>
      %reduce_sum3A_555 = arith.constant true
      %reduce_sum3A_556 = vector.broadcast %reduce_sum3A_555 : i1 to vector<16xi1>
      %reduce_sum3A_557 = tpu.scan <sum>, %add3A_554 masked %reduce_sum3A_556 : vector<16xf32>, vector<16xi1> -> vector<16xf32>
      %reduce_sum3A_558 = vector.extract %reduce_sum3A_557[15] : f32 from vector<16xf32>
      %eq3A_559 = arith.constant 13 : i32
      %eq3A_560 = vector.broadcast %eq3A_559 : i32 to vector<16xi32>
      %eq3A_561 = arith.cmpi eq, %iota3A, %eq3A_560 : vector<16xi32>
      %broadcast_in_dim3A_562 = vector.broadcast %reduce_sum3A_558 : f32 to vector<16xf32>
      %select_n3A_563 = arith.select %eq3A_561, %broadcast_in_dim3A_562, %select_n3A_535 : vector<16xi1>, vector<16xf32>
      %mul3A_564 = arith.constant 16 : i32
      %mul3A_565 = arith.muli %scan3A_173, %mul3A_564 : i32
      %add3A_566 = arith.constant 14 : i32
      %add3A_567 = arith.addi %mul3A_565, %add3A_566 : i32
      %get3A_568 = arith.index_cast %add3A_567 : i32 to index
      %get3A_569 = arith.constant 0 : index
      %get3A_570 = tpu.vector_load %arg10[%get3A_568, %get3A_569] {strides = array<i32>} : memref<512x32xf32, #tpu.memory_space<vmem>>, vector<16xf32>,
      %get3A_571 = arith.index_cast %add3A_567 : i32 to index
      %get3A_572 = arith.constant 16 : index
      %get3A_573 = tpu.vector_load %arg10[%get3A_571, %get3A_572] {strides = array<i32>} : memref<512x32xf32, #tpu.memory_space<vmem>>, vector<16xf32>,
      %get3A_574 = arith.index_cast %add3A_567 : i32 to index
      %get3A_575 = arith.constant 0 : index
      %get3A_576 = tpu.vector_load %arg11[%get3A_574, %get3A_575] {strides = array<i32>} : memref<512x32xf32, #tpu.memory_space<vmem>>, vector<16xf32>,
      %get3A_577 = arith.index_cast %add3A_567 : i32 to index
      %get3A_578 = arith.constant 16 : index
      %get3A_579 = tpu.vector_load %arg11[%get3A_577, %get3A_578] {strides = array<i32>} : memref<512x32xf32, #tpu.memory_space<vmem>>, vector<16xf32>,
      %mul3A_580 = arith.mulf %get3A_570, %get3A_576 : vector<16xf32>
      %mul3A_581 = arith.mulf %get3A_573, %get3A_579 : vector<16xf32>
      %add3A_582 = arith.addf %mul3A_580, %mul3A_581 : vector<16xf32>
      %reduce_sum3A_583 = arith.constant true
      %reduce_sum3A_584 = vector.broadcast %reduce_sum3A_583 : i1 to vector<16xi1>
      %reduce_sum3A_585 = tpu.scan <sum>, %add3A_582 masked %reduce_sum3A_584 : vector<16xf32>, vector<16xi1> -> vector<16xf32>
      %reduce_sum3A_586 = vector.extract %reduce_sum3A_585[15] : f32 from vector<16xf32>
      %eq3A_587 = arith.constant 14 : i32
      %eq3A_588 = vector.broadcast %eq3A_587 : i32 to vector<16xi32>
      %eq3A_589 = arith.cmpi eq, %iota3A, %eq3A_588 : vector<16xi32>
      %broadcast_in_dim3A_590 = vector.broadcast %reduce_sum3A_586 : f32 to vector<16xf32>
      %select_n3A_591 = arith.select %eq3A_589, %broadcast_in_dim3A_590, %select_n3A_563 : vector<16xi1>, vector<16xf32>
      %mul3A_592 = arith.constant 16 : i32
      %mul3A_593 = arith.muli %scan3A_173, %mul3A_592 : i32
      %add3A_594 = arith.constant 15 : i32
      %add3A_595 = arith.addi %mul3A_593, %add3A_594 : i32
      %get3A_596 = arith.index_cast %add3A_595 : i32 to index
      %get3A_597 = arith.constant 0 : index
      %get3A_598 = tpu.vector_load %arg10[%get3A_596, %get3A_597] {strides = array<i32>} : memref<512x32xf32, #tpu.memory_space<vmem>>, vector<16xf32>,
      %get3A_599 = arith.index_cast %add3A_595 : i32 to index
      %get3A_600 = arith.constant 16 : index
      %get3A_601 = tpu.vector_load %arg10[%get3A_599, %get3A_600] {strides = array<i32>} : memref<512x32xf32, #tpu.memory_space<vmem>>, vector<16xf32>,
      %get3A_602 = arith.index_cast %add3A_595 : i32 to index
      %get3A_603 = arith.constant 0 : index
      %get3A_604 = tpu.vector_load %arg11[%get3A_602, %get3A_603] {strides = array<i32>} : memref<512x32xf32, #tpu.memory_space<vmem>>, vector<16xf32>,
      %get3A_605 = arith.index_cast %add3A_595 : i32 to index
      %get3A_606 = arith.constant 16 : index
      %get3A_607 = tpu.vector_load %arg11[%get3A_605, %get3A_606] {strides = array<i32>} : memref<512x32xf32, #tpu.memory_space<vmem>>, vector<16xf32>,
      %mul3A_608 = arith.mulf %get3A_598, %get3A_604 : vector<16xf32>
      %mul3A_609 = arith.mulf %get3A_601, %get3A_607 : vector<16xf32>
      %add3A_610 = arith.addf %mul3A_608, %mul3A_609 : vector<16xf32>
      %reduce_sum3A_611 = arith.constant true
      %reduce_sum3A_612 = vector.broadcast %reduce_sum3A_611 : i1 to vector<16xi1>
      %reduce_sum3A_613 = tpu.scan <sum>, %add3A_610 masked %reduce_sum3A_612 : vector<16xf32>, vector<16xi1> -> vector<16xf32>
      %reduce_sum3A_614 = vector.extract %reduce_sum3A_613[15] : f32 from vector<16xf32>
      %eq3A_615 = arith.constant 15 : i32
      %eq3A_616 = vector.broadcast %eq3A_615 : i32 to vector<16xi32>
      %eq3A_617 = arith.cmpi eq, %iota3A, %eq3A_616 : vector<16xi32>
      %broadcast_in_dim3A_618 = vector.broadcast %reduce_sum3A_614 : f32 to vector<16xf32>
      %select_n3A_619 = arith.select %eq3A_617, %broadcast_in_dim3A_618, %select_n3A_591 : vector<16xi1>, vector<16xf32>
      %mul3A_620 = arith.mulf %select_n3A_619, %get3A_163 : vector<16xf32>
      %add3A_621 = arith.addf %mul3A_620, %get3A_167 : vector<16xf32>
      %mul3A_622 = arith.constant 16 : i32
      %mul3A_623 = arith.muli %scan3A_173, %mul3A_622 : i32
      %swap3A = arith.index_cast %mul3A_623 : i32 to index
      %swap3A_624 = tpu.vector_load %arg12[%swap3A] {strides = array<i32>} : memref<512xf32, #tpu.memory_space<vmem>>, vector<16xf32>,
      tpu.vector_store %arg12[%swap3A], %add3A_621 {strides = array<i32>} : memref<512xf32, #tpu.memory_space<vmem>>, vector<16xf32>,
    }
    %scan3A_172 = arith.constant 32 : i32
    "tpu.region"() ({
      %run_scoped3A = tpu.sem_alloc : memref<!tpu.dma_semaphore, #tpu.memory_space<semaphore_mem>>
      %dma_start3A_173 = tpu.memref_slice %arg7[%mul3A_2] : memref<16384xf32, #tpu.memory_space<hbm>> -> memref<512xf32, #tpu.memory_space<hbm>>
      %dma_start3A_174 = tpu.memref_slice %arg7[%mul3A_2] : memref<16384xf32, #tpu.memory_space<hbm>> -> memref<512xf32, #tpu.memory_space<hbm>>
      tpu.enqueue_dma source(%arg12 : memref<512xf32, #tpu.memory_space<vmem>>) target(%dma_start3A_174 : memref<512xf32, #tpu.memory_space<hbm>>) target_semaphore(%run_scoped3A : memref<!tpu.dma_semaphore, #tpu.memory_space<semaphore_mem>>)
      %dma_wait3A_175 = tpu.memref_slice %arg7[%mul3A_2] : memref<16384xf32, #tpu.memory_space<hbm>> -> memref<512xf32, #tpu.memory_space<hbm>>
      %dma_wait3A_176 = tpu.memref_slice %arg7[%mul3A_2] : memref<16384xf32, #tpu.memory_space<hbm>> -> memref<512xf32, #tpu.memory_space<hbm>>
      tpu.wait_dma2 semaphore(%run_scoped3A : memref<!tpu.dma_semaphore, #tpu.memory_space<semaphore_mem>>) src(%arg12 : memref<512xf32, #tpu.memory_space<vmem>>) dst(%dma_wait3A_176 : memref<512xf32, #tpu.memory_space<hbm>>)
      tpu.yield
    }) : () -> ()
    return
  }
}

</mosaic_0001>

<sc_bundles>
// kernel: kernel.3.cloned.1.call-start
scs
__scs_entry_jumppad:
0x0: {  	(pc) =	sbr.rel $0x88, $3  }
0x1: {  	(tag) =	ssettag $0x0;
	lr =	simm.s32 $0x1  }
0x2: {  	[smem:$0x3F9B] =	sst lr;
	_ =	strace $0xD0000000  }
0x3: {  	_ = 	snop  }
0x4: {  	_ = 	snop  }
0x5: {  	_ = 	snop  }
0x6: {  	_ = 	snop  }
0x7: {  	_ = 	snop  }
__scs_overlays_trampoline_lowered:
0x8: {  	[smem:$0x3FAA] =	sst s0  }
0x9: {  	[smem:$0x3FAB] =	sst s1  }
0xa: {  	[smem:$0x3FAC] =	sst s2  }
0xb: {  	[smem:$0x3FAD] =	sst s3  }
0xc: {  	[smem:$0x3FAE] =	sst s4  }
0xd: {  	[smem:$0x3FAF] =	sst s5  }
0xe: {  	[smem:$0x3FB0] =	sst s6  }
0xf: {  	[smem:$0x3FB1] =	sst s7  }
0x10: {  	[smem:$0x3FB2] =	sst s8  }
0x11: {  	[smem:$0x3FB3] =	sst s9;
	s0 =	simm.s32 @!p0 $0x0  }
0x12: {  	s1 =	sld [smem:$0x3F99];
	s0 =	simm.s32 @p0 $0x1  }
0x13: {  	[smem:$0x3FB4] =	sst s0;
	s0 =	simm.s32 @!p1 $0x0  }
0x14: {  	s2 =	sld [smem:$0x3F98];
	s0 =	simm.s32 @p1 $0x1  }
0x15: {  	[smem:$0x3FB5] =	sst s0;
	s0 =	simm.s32 @!p2 $0x0  }
0x16: {  	s3 =	sld [smem:$0x3FDB];
	s0 =	simm.s32 @p2 $0x1  }
0x17: {  	s4 =	simm.s32 $0x1BF5;
	[smem:$0x3FB7] =	sst s0  }
0x18: {  	s0 =	sld [smem:$0x3F9A];
	_ =	swait.ge [sflag:s4], $0x0  }
0x19: {  	s7 =	sld [smem:$0x3F9B]  }
0x1a: {  	s8 =	sadd.s32 $0xFFFFE003, lr  }
0x1b: {  	s9 =	sadd.s32 $0xFFFFFEF7, lr;
	s5 =	simm.s32 $0xFFFFFFFF;
	p2 =	slt.u32 s8, $0xFFFFF086  }
0x1c: {  	p1 =	slt.u32 s9, $0xF7A;
	s5 =	simm.s32 @!p2 $0x0  }
0x1d: {  	s5 =	simm.s32 @p1 $0x1;
	p0 =	seq.s32 s7, s2  }
0x1e: {  	s7 =	smul.u32 @!p0 $0xF7A, s2;
	p2 =	seq.s32 @!p0 s5, $0x0  }
0x1f: {  	s9 =	smul.u32 $0xF7A, s1;
	s8 =	simm.s32 @!p0 $0x1BF5;
	p2 =	por !p2, p0  }
0x20: {  	[sflag:s8] =	ssyncset.s32 @!p0 $0xFFFFF086;
	s6 =	sadd.s32 @!p0 s3, s7;
	s7 =	simm.s32 @!p0 $0x108  }
0x21: {  	s3 =	sadd.s32 s3, s9;
	s6 =	sadd.s32 @!p0 $0x88, s6;
	s7 =	simm.s32 @p2 $0x1082  }
0x22: {  	[simem:s7], [sflag:s8] =	dma.local @!p0 [hbm:s6], $0xF7A  }
0x23: {  	s9 =	sor.u32 $0xD0000000, s2;
	s6 =	simm.s32 $0x108;
	_ =	swait.ge @!p0 [sflag:s8], $0x0  }
0x24: {  	s3 =	sadd.s32 $0x88, s3;
	s6 =	simm.s32 @!p1 $0x1082;
	[sflag:s4] =	ssyncset.s32 $0xFFFFF086  }
0x25: {  	[simem:s6], [sflag:s4] =	dma.local [hbm:s3], $0xF7A  }
0x26: {  	[smem:$0x3F9B] =	sst s1;
	(tag) =	ssettag s2;
	_ =	strace s9  }
0x27: {  	s1 =	sld [smem:$0x3FAB]  }
0x28: {  	s2 =	sld [smem:$0x3FAC]  }
0x29: {  	s4 =	sld [smem:$0x3FAE]  }
0x2a: {  	p0 =	seq.s32 s5, $0x0;
	s5 =	sld [smem:$0x3FAF]  }
0x2b: {  	s6 =	sld [smem:$0x3FB0]  }
0x2c: {  	s7 =	sld [smem:$0x3FB1]  }
0x2d: {  	s3 =	simm.s32 $0x108;
	s8 =	sld [smem:$0x3FB2]  }
0x2e: {  	s3 =	simm.s32 @!p0 $0x1082;
	s9 =	sld [smem:$0x3FB3]  }
0x2f: {  	lr =	sadd.s32 s0, s3;
	s0 =	sld [smem:$0x3FAA]  }
0x30: {  	s3 =	sld [smem:$0x3FAD]  }
0x31: {  	[smem:$0x3FB6] =	sst s10  }
0x32: {  	s10 =	sld [smem:$0x3FB4];
	_ =	sdelay $0x3  }
0x33: {  	p0 =	seq.s32 s10, $0x1;
	s10 =	sld [smem:$0x3FB6];
	_ =	sdelay $0x3  }
0x34: {  	[smem:$0x3FB6] =	sst s10  }
0x35: {  	s10 =	sld [smem:$0x3FB5];
	_ =	sdelay $0x3  }
0x36: {  	p1 =	seq.s32 s10, $0x1;
	s10 =	sld [smem:$0x3FB6];
	_ =	sdelay $0x3  }
0x37: {  	[smem:$0x3FB6] =	sst s10  }
0x38: {  	s10 =	sld [smem:$0x3FB7]  }
0x39: {  	_ = 	snop;
	(pc) =	sbr.ind lr, $3  }
0x3a: {  	_ = 	snop  }
0x3b: {  	_ = 	snop  }
0x3c: {  	p2 =	seq.s32 s10, $0x1;
	s10 =	sld [smem:$0x3FB6]  }
0x3d: {  	_ =	shalt  }
0x3e: {  	_ =	shalt  }
0x3f: {  	_ =	shalt  }
0x40: {  	_ =	shalt  }
0x41: {  	_ =	shalt  }
0x42: {  	_ =	shalt  }
0x43: {  	_ =	shalt  }
0x44: {  	_ =	shalt  }
0x45: {  	_ =	shalt  }
0x46: {  	_ =	shalt  }
0x47: {  	_ =	shalt  }
0x48: {  	_ =	shalt  }
0x49: {  	_ =	shalt  }
0x4a: {  	_ =	shalt  }
0x4b: {  	_ =	shalt  }
0x4c: {  	_ =	shalt  }
0x4d: {  	_ =	shalt  }
0x4e: {  	_ =	shalt  }
0x4f: {  	_ =	shalt  }
0x50: {  	_ =	shalt  }
0x51: {  	_ =	shalt  }
0x52: {  	_ =	shalt  }
0x53: {  	_ =	shalt  }
0x54: {  	_ =	shalt  }
0x55: {  	_ =	shalt  }
0x56: {  	_ =	shalt  }
0x57: {  	_ =	shalt  }
0x58: {  	_ =	shalt  }
0x59: {  	_ =	shalt  }
0x5a: {  	_ =	shalt  }
0x5b: {  	_ =	shalt  }
0x5c: {  	_ =	shalt  }
0x5d: {  	_ =	shalt  }
0x5e: {  	_ =	shalt  }
0x5f: {  	_ =	shalt  }
0x60: {  	_ =	shalt  }
0x61: {  	_ =	shalt  }
0x62: {  	_ =	shalt  }
0x63: {  	_ =	shalt  }
0x64: {  	_ =	shalt  }
0x65: {  	_ =	shalt  }
0x66: {  	_ =	shalt  }
0x67: {  	_ =	shalt  }
0x68: {  	_ =	shalt  }
0x69: {  	_ =	shalt  }
0x6a: {  	_ =	shalt  }
0x6b: {  	_ =	shalt  }
0x6c: {  	_ =	shalt  }
0x6d: {  	_ =	shalt  }
0x6e: {  	_ =	shalt  }
0x6f: {  	_ =	shalt  }
0x70: {  	_ =	shalt  }
0x71: {  	_ =	shalt  }
0x72: {  	_ =	shalt  }
0x73: {  	_ =	shalt  }
0x74: {  	_ =	shalt  }
0x75: {  	_ =	shalt  }
0x76: {  	_ =	shalt  }
0x77: {  	_ =	shalt  }
0x78: {  	_ =	shalt  }
0x79: {  	_ =	shalt  }
0x7a: {  	_ =	shalt  }
0x7b: {  	_ =	shalt  }
0x7c: {  	_ =	shalt  }
0x7d: {  	_ =	shalt  }
0x7e: {  	_ =	shalt  }
0x7f: {  	_ =	shalt  }
0x80: {  	_ =	shalt  }
0x81: {  	_ =	shalt  }
0x82: {  	_ =	shalt  }
0x83: {  	_ =	shalt  }
0x84: {  	_ =	shalt  }
0x85: {  	_ =	shalt  }
0x86: {  	_ =	shalt  }
0x87: {  	_ =	shalt  }
.Lfunc_end0:
.L_simem_size_0:
called_computation_lowered:
.L_overlay_start_0:
0x88: {  	s2 =	sld [smem:$0x3FD9]  }
0x89: {  	s3 =	sld [smem:$0x3FFE];
	_ =	sdelay $0x1  }
0x8a: {  	s1 =	srdreg.scid  }
0x8b: {  	s0 =	sand.u32 $0x1, s1  }
0x8c: {  	s17 =	sshll.u32 s0, $0xA;
	s2 =	sadd.s32 s3, s2  }
0x8d: {  	s2 =	sadd.s32 s2, s17  }
0x8e: {  	[smem:$0x3FC2] =	sst s2  }
0x8f: {  	_ = 	snop  }
0x90: {  	s2 =	sld [smem:$0x3FC9]  }
0x91: {  	s18 =	sld [smem:$0x3FC8]  }
0x92: {  	s4 =	sld [smem:$0x3FD0];
	(tm) =	ssettm $0x1  }
0x93: {  	s5 =	sld [smem:$0x3FFB];
	_ =	sdelay $0x3  }
0x94: {  	_ =	strace s5  }
0x95: {  	s5 =	sld [smem:$0x3FFC];
	_ =	sdelay $0x3  }
0x96: {  	_ =	strace s5  }
0x97: {  	s5 =	sld [smem:$0x3FFD];
	_ =	sdelay $0x3  }
0x98: {  	_ =	strace s5  }
0x99: {  	_ =	strace $0x8FFFFFFF  }
0x9a: {  	s19 =	sld [smem:$0x3FDB];
	_ =	sdelay $0x1  }
0x9b: {  	s6 =	simm.s32 $_scs_section_size  }
0x9c: {  	s7 =	simm.s32 $_size__tile_overlayer_lowered;
	s8 =	simm.s32 $_tile_overlayer_lowered  }
0x9d: {  	s22 =	simm.s32 $0x1BFF;
	s21 =	sshll.u32 s8, $0x1;
	s5 =	sadd.s32 s6, s19  }
0x9e: {  	s9 =	simm.s32 $0x0;
	s20 =	sshll.u32 s7, $0x1;
	s7 =	sadd.s32 s21, s5  }
0x9f: {  	[timem:s9], [sflag:s22] =	dma.local [hbm:s7], s20  }
0xa0: {  	_ =	swait.ge [sflag:s22], s20  }
0xa1: {  	s6 =	ssub.s32 $0x0, s20;
	[sflag:s22] =	ssyncset.done $0x0  }
0xa2: {  	[sflag:s22] =	ssyncadd.s32 s6;
	_ =	sdelay $0x1  }
0xa3: {  	s23 =	simm.s32 $0x1B8B  }
0xa4: {  	_ =	swait.ge [sflag:s23], $0x1  }
0xa5: {  	[sflag:s23] =	ssyncset.done $0x0  }
0xa6: {  	s25 =	simm.s32 $0x1B8E;
	s24 =	sld [smem:$0x3FFE];
	[sflag:s23] =	ssyncadd.s32 $0xFFFFFFFF  }
0xa7: {  	s26 =	simm.s32 $execute0_lowered;
	[smem:$0x3FD2] =	sst s25  }
0xa8: {  	s7 =	sshll.u32 s26, $0x1;
	_ =	strace $0x80000046;
	[dreg:$0x1] =	wrdreg $0xFFFFFFFF  }
0xa9: {  	s28 =	simm.s32 $_size_execute0_lowered;
	s5 =	sadd.s32 s5, s7;
	[dreg:$0x0] =	wrdreg $0x0  }
0xaa: {  	s7 =	sshll.u32 s28, $0x1;
	[dreg:$0x2] =	wrdreg s5  }
0xab: {  	[dreg:$0x3] =	wrdreg s7  }
0xac: {  	[dreg:$0x4] =	wrdreg $0xC0  }
0xad: {  	_ =	task [dreg:s9], $0x5FFFF  }
0xae: {  	[dreg:$0x1] =	wrdreg $0xFFFFFFFF  }
0xaf: {  	[dreg:$0x0] =	wrdreg $0x60  }
0xb0: {  	[dreg:$0x2] =	wrdreg s2  }
0xb1: {  	[dreg:$0x3] =	wrdreg s18  }
0xb2: {  	[dreg:$0x4] =	wrdreg s24  }
0xb3: {  	[dreg:$0x5] =	wrdreg s4  }
0xb4: {  	[dreg:$0x6] =	wrdreg $0x9  }
0xb5: {  	_ =	task.clear_ibuf [dreg:s9], $0x7FFFF;
	_ =	strace $0x90000046  }
0xb6: {  	s29 =	simm.s32 $0x9;
	_ =	strace $0x80000048  }
0xb7: {  	_ =	swait.ge [sflag:s29], $0x1  }
0xb8: {  	[sflag:s29] =	ssyncadd.s32 $0xFFFFFFFF  }
0xb9: {  	_ =	strace $0x90000048  }
0xba: {  	_ =	sfence  }
0xbb: {  	s30 =	sld [smem:$0x0];
	_ =	sdelay $0x2  }
0xbc: {  	s31 =	sshll.u32 s1, $0xD;
	s1 =	sshrl.u32 s1, $0x2  }
0xbd: {  	s3 =	sand.u32 $0x4000, s31;
	s1 =	sadd.s32 s1, s30  }
0xbe: {  	s0 =	sor.u32 s3, s0;
	s1 =	sshll.u32 s1, $0x11  }
0xbf: {  	s0 =	sor.u32 s1, s0  }
0xc0: {  	s0 =	sadd.s32 $0x8F2B, s0  }
0xc1: {  	[sflag:s0] =	ssyncadd.remote.s32 $0x1  }
0xc2: {  	_ =	sfence.sel $0xFFFF  }
0xc3: {  	[dreg:$0x0] =	wrdreg $0xFFFFFFFF;
	(pc) =	sbr.abs _section_cstart, $3  }
0xc4: {  	[dreg:$0x1] =	wrdreg $0xFFFFFFFF  }
0xc5: {  	_ =	task.clear_ibuf [dreg:s9], $0x2FFFF;
	_ =	strace $0x9FFFFFFF  }
0xc6: {  	(tm) =	ssettm $0x7FFFFFFF  }
0xc7: {  	_ =	shalt  }
tec
execute0_lowered:
.L_overlay_start_1:
0x0: {  	(tag) =	ssettag $0x1  }
0x1: {  	s0 =	rddreg [dreg:$0x0]  }
0x2: {  	s2 =	rddreg [dreg:$0x1]  }
0x3: {  	s5 =	rddreg [dreg:$0x2]  }
0x4: {  	s8 =	rddreg [dreg:$0x3]  }
0x5: {  	s1 =	simm.s32 $0x0;
	s4 =	srdreg.scid;
	s10 =	stileid.u32  }
0x6: {  	s11 =	simm.s32 $0x200;
	s12 =	simm.s32 $0x8600;
	s13 =	simm.s32 $0x80  }
0x7: {  	s14 =	simm.s32 $0x400;
	s15 =	simm.s32 $0x4400;
	s16 =	simm.s32 $0x1400  }
0x8: {  	s17 =	simm.s32 $0x280;
	s18 =	simm.s32 $0x5400;
	s19 =	simm.s32 $0x100  }
0x9: {  	s20 =	simm.s32 $0x2400;
	s21 =	simm.s32 $0x300;
	s22 =	simm.s32 $0x6400  }
0xa: {  	s23 =	simm.s32 $0x180;
	s24 =	simm.s32 $0x3400;
	s25 =	simm.s32 $0x380  }
0xb: {  	s26 =	simm.s32 $0x7400;
	s28 =	simm.s32 $0x1;
	s29 =	simm.s32 $0x8400  }
0xc: {  	s30 =	simm.s32 $0x0;
	[smem:$0x7FF] =	sst s1;
	s3 =	sadd.s32 $0x1313200, s5  }
0xd: {  	vm0 =	vmmov $0x1;
	vm1 =	vmmov $0x3;
	vm2 =	vmmov $0x7;
	s6 =	sand.u32 $0x1, s4;
	s4 =	sadd.s32 $0xF42800, s5;
	s10 =	sshll.u32 s10, $0x7  }
0xe: {  	vm3 =	vmmov $0xf;
	vm4 =	vmmov $0x1f;
	vm5 =	vmmov $0x3f;
	s5 =	sadd.s32 $0x400, s5;
	s7 =	ssub.s32 $0x2, s6;
	s6 =	sshll.u32 s6, $0x6  }
0xf: {  	vm6 =	vmmov $0x7f;
	vm7 =	vmmov $0xff;
	vm8 =	vmmov $0x1ff;
	_ =	strace $0x80000047;
	s9 =	sshrl.u32 s7, $0x1;
	s10 =	sor.u32 s6, s10  }
0x10: {  	vm9 =	vmmov $0x3ff;
	vm10 =	vmmov $0x7ff;
	vm11 =	vmmov $0xfff;
	s9 =	ssub.s32 s7, s9;
	s6 =	sadd.s32 s0, s10;
	s7 =	sadd.s32 s2, s10  }
0x11: {  	vm12 =	vmmov $0x1fff;
	vm13 =	vmmov $0x3fff;
	vm14 =	vmmov $0x7fff;
	s8 =	sadd.s32 s8, s10;
	s10 =	simm.s32 $0x2;
	s9 =	smax.u32 s9, $0x1  }
.LBB2_1:
0x12: {  	[tilespmem:s1], [sflag:$0x2] =	stream.linear.gather [hbm4b:s6+s1], $0x200, $0x38;
	[tilespmem:$0x8620] =	vst v63  }
0x13: {  	_ =	swait.ge [sflag:s10], $0x200  }
0x14: {  	[sflag:s10] =	ssyncset.done $0x0  }
0x15: {  	[sflag:s10] =	ssyncadd.s32 $0xFFFFFE00  }
0x16: {  	[tilespmem:s11], [sflag:$0x2] =	stream.linear.gather [hbm4b:s7+s1], $0x200, $0x38;
	[tilespmem:$0x8620] =	vst v63  }
0x17: {  	_ =	swait.ge [sflag:s10], $0x200  }
0x18: {  	[sflag:s10] =	ssyncset.done $0x0  }
0x19: {  	[sflag:s10] =	ssyncadd.s32 $0xFFFFFE00  }
0x1a: {  	[tilespmem:s12], [sflag:$0x2] =	stream.linear.gather [hbm4b:s5+s1], $0x20, $0x38;
	[tilespmem:$0x8620] =	vst v63  }
0x1b: {  	_ =	swait.ge [sflag:s10], $0x20  }
0x1c: {  	[sflag:s10] =	ssyncset.done $0x0  }
0x1d: {  	[sflag:s10] =	ssyncadd.s32 $0xFFFFFFE0  }
0x1e: {  	[tilespmem:s14], [sflag:$0x1] =	stream.indirect.gather [hbm4b:s3+s13], $0x20, s1, s13, $0xb8;
	[tilespmem:$0x8620] =	vst v63  }
0x1f: {  	_ = 	snop  }
0x20: {  	[tilespmem:s15], [sflag:$0x1] =	stream.indirect.gather [hbm4b:s4+s13], $0x20, s11, s13, $0xb8;
	[tilespmem:$0x8620] =	vst v63  }
0x21: {  	_ = 	snop  }
0x22: {  	[tilespmem:s16], [sflag:$0x1] =	stream.indirect.gather [hbm4b:s3+s13], $0x20, s13, s13, $0xb8;
	[tilespmem:$0x8620] =	vst v63  }
0x23: {  	_ = 	snop  }
0x24: {  	[tilespmem:s18], [sflag:$0x1] =	stream.indirect.gather [hbm4b:s4+s13], $0x20, s17, s13, $0xb8;
	[tilespmem:$0x8620] =	vst v63  }
0x25: {  	_ = 	snop  }
0x26: {  	[tilespmem:s20], [sflag:$0x1] =	stream.indirect.gather [hbm4b:s3+s13], $0x20, s19, s13, $0xb8;
	[tilespmem:$0x8620] =	vst v63  }
0x27: {  	_ = 	snop  }
0x28: {  	[tilespmem:s22], [sflag:$0x1] =	stream.indirect.gather [hbm4b:s4+s13], $0x20, s21, s13, $0xb8;
	[tilespmem:$0x8620] =	vst v63  }
0x29: {  	_ = 	snop  }
0x2a: {  	[tilespmem:s24], [sflag:$0x1] =	stream.indirect.gather [hbm4b:s3+s13], $0x20, s23, s13, $0xb8;
	[tilespmem:$0x8620] =	vst v63  }
0x2b: {  	_ = 	snop  }
0x2c: {  	[tilespmem:s26], [sflag:$0x1] =	stream.indirect.gather [hbm4b:s4+s13], $0x20, s25, s13, $0xb8;
	[tilespmem:$0x8620] =	vst v63  }
0x2d: {  	_ =	swait.ge [sflag:s28], $0x1000  }
0x2e: {  	[sflag:s28] =	ssyncset.done $0x0  }
0x2f: {  	[sflag:s28] =	ssyncadd.s32 $0xFFFFF000  }
0x30: {  	_ =	swait.ge [sflag:s28], $0x1000  }
0x31: {  	[sflag:s28] =	ssyncset.done $0x0  }
0x32: {  	[sflag:s28] =	ssyncadd.s32 $0xFFFFF000  }
0x33: {  	_ =	swait.ge [sflag:s28], $0x1000  }
0x34: {  	[sflag:s28] =	ssyncset.done $0x0  }
0x35: {  	[sflag:s28] =	ssyncadd.s32 $0xFFFFF000  }
0x36: {  	_ =	swait.ge [sflag:s28], $0x1000  }
0x37: {  	[sflag:s28] =	ssyncset.done $0x0  }
0x38: {  	[sflag:s28] =	ssyncadd.s32 $0xFFFFF000  }
0x39: {  	_ =	swait.ge [sflag:s28], $0x1000  }
0x3a: {  	[sflag:s28] =	ssyncset.done $0x0  }
0x3b: {  	[sflag:s28] =	ssyncadd.s32 $0xFFFFF000  }
0x3c: {  	_ =	swait.ge [sflag:s28], $0x1000  }
0x3d: {  	[sflag:s28] =	ssyncset.done $0x0  }
0x3e: {  	[sflag:s28] =	ssyncadd.s32 $0xFFFFF000  }
0x3f: {  	_ =	swait.ge [sflag:s28], $0x1000  }
0x40: {  	[sflag:s28] =	ssyncset.done $0x0  }
0x41: {  	[sflag:s28] =	ssyncadd.s32 $0xFFFFF000  }
0x42: {  	_ =	swait.ge [sflag:s28], $0x1000  }
0x43: {  	[sflag:s28] =	ssyncset.done $0x0  }
0x44: {  	s0 =	simm.s32 $0x0;
	[sflag:s28] =	ssyncadd.s32 $0xFFFFF000  }
0x45: {  	v0 =	vld [tilespmem:s0+$0x5C0]  }
0x46: {  	v1 =	vld [tilespmem:s0+$0x45C0]  }
0x47: {  	v2 =	vld [tilespmem:s0+$0x5D0]  }
0x48: {  	v3 =	vld [tilespmem:s0+$0x45D0]  }
0x49: {  	v4 =	vld [tilespmem:s0+$0x5A0]  }
0x4a: {  	v5 =	vld [tilespmem:s0+$0x580]  }
0x4b: {  	v6 =	vld [tilespmem:s0+$0x4580]  }
0x4c: {  	v7 =	vld [tilespmem:s0+$0x590]  }
0x4d: {  	v8 =	vld [tilespmem:s0+$0x4590]  }
0x4e: {  	v9 =	vld [tilespmem:s0+$0x560]  }
0x4f: {  	v10 =	vld [tilespmem:s0+$0x4560]  }
0x50: {  	v11 =	vld [tilespmem:s0+$0x570]  }
0x51: {  	v12 =	vld [tilespmem:s0+$0x4570]  }
0x52: {  	v13 =	vld [tilespmem:s0+$0x540]  }
0x53: {  	v14 =	vld [tilespmem:s0+$0x520]  }
0x54: {  	v15 =	vld [tilespmem:s0+$0x4520]  }
0x55: {  	v16 =	vld [tilespmem:s0+$0x530]  }
0x56: {  	v17 =	vld [tilespmem:s0+$0x4530]  }
0x57: {  	v18 =	vld [tilespmem:s0+$0x500]  }
0x58: {  	v19 =	vld [tilespmem:s0+$0x4500]  }
0x59: {  	v20 =	vld [tilespmem:s0+$0x510]  }
0x5a: {  	v21 =	vld [tilespmem:s0+$0x4510]  }
0x5b: {  	v22 =	vld [tilespmem:s0+$0x4E0]  }
0x5c: {  	v23 =	vld [tilespmem:s0+$0x4C0]  }
0x5d: {  	v24 =	vld [tilespmem:s0+$0x44C0]  }
0x5e: {  	v25 =	vld [tilespmem:s0+$0x4D0]  }
0x5f: {  	v26 =	vld [tilespmem:s0+$0x44D0]  }
0x60: {  	v27 =	vld [tilespmem:s0+$0x4A0]  }
0x61: {  	v28 =	vld [tilespmem:s0+$0x44A0]  }
0x62: {  	v29 =	vld [tilespmem:s0+$0x4B0]  }
0x63: {  	v30 =	vld [tilespmem:s0+$0x44B0]  }
0x64: {  	v31 =	vld [tilespmem:s0+$0x480]  }
0x65: {  	v32 =	vld [tilespmem:s0+$0x460]  }
0x66: {  	v33 =	vld [tilespmem:s0+$0x4460]  }
0x67: {  	v34 =	vld [tilespmem:s0+$0x470]  }
0x68: {  	v35 =	vld [tilespmem:s0+$0x4470]  }
0x69: {  	v36 =	vld [tilespmem:s0+$0x440]  }
0x6a: {  	v37 =	vld [tilespmem:s0+$0x4440]  }
0x6b: {  	v38 =	vld [tilespmem:s0+$0x450]  }
0x6c: {  	v39 =	vld [tilespmem:s0+$0x4450]  }
0x6d: {  	v40 =	vld [tilespmem:s0+$0x4400]  }
0x6e: {  	v41 =	vld [tilespmem:s0+$0x400]  }
0x6f: {  	v0 =	vmul.f32 v1, v0;
	v1 =	vmul.f32 v3, v2;
	v2 =	vld [tilespmem:s0+$0x410]  }
0x70: {  	v3 =	vmul.f32 v6, v5;
	v5 =	vmul.f32 v8, v7;
	v6 =	vld [tilespmem:s0+$0x4410]  }
0x71: {  	v7 =	vmul.f32 v12, v11;
	v8 =	vld [tilespmem:s0+$0x420];
	v0 =	vadd.f32 v1, v0;
	v1 =	vmul.f32 v10, v9  }
0x72: {  	v11 =	vld [tilespmem:s0+$0x430];
	v3 =	vadd.f32 v5, v3;
	v5 =	vmul.f32 v15, v14;
	v9 =	vmul.f32 v17, v16  }
0x73: {  	v12 =	vld [tilespmem:s0+$0x4430];
	(xrf2) =	vadd.scan.msk.f32 $0xffff, v0;
	v0 =	vadd.f32 v7, v1;
	v1 =	vmul.f32 v19, v18;
	v7 =	vmul.f32 v21, v20  }
0x74: {  	v10 =	vld [tilespmem:s0+$0x4420];
	(xrf2) =	vadd.scan.msk.f32 $0xffff, v3;
	v3 =	vadd.f32 v9, v5;
	v5 =	vmul.f32 v24, v23;
	v9 =	vmul.f32 v26, v25  }
0x75: {  	v14 =	vld [tilespmem:s0+$0x4480];
	(xrf2) =	vadd.scan.msk.f32 $0xffff, v0;
	v0 =	vadd.f32 v7, v1;
	v1 =	vmul.f32 v28, v27;
	v7 =	vmul.f32 v30, v29  }
0x76: {  	v15 =	vld [tilespmem:s0+$0x490];
	(xrf2) =	vadd.scan.msk.f32 $0xffff, v3;
	v3 =	vadd.f32 v9, v5;
	v5 =	vmul.f32 v33, v32;
	v9 =	vmul.f32 v35, v34  }
0x77: {  	v16 =	vld [tilespmem:s0+$0x4490];
	(xrf2) =	vadd.scan.msk.f32 $0xffff, v0;
	v0 =	vadd.f32 v7, v1;
	v1 =	vmul.f32 v37, v36;
	v7 =	vmul.f32 v39, v38  }
0x78: {  	v2 =	vmul.f32 v6, v2;
	v6 =	vld [tilespmem:s0+$0x44E0];
	(xrf2) =	vadd.scan.msk.f32 $0xffff, v3;
	v3 =	vadd.f32 v9, v5  }
0x79: {  	v5 =	vmul.f32 v40, v41;
	(xrf2) =	vadd.scan.msk.f32 $0xffff, v0;
	v0 =	vadd.f32 v7, v1;
	v1 =	vmul.f32 v10, v8;
	v8 =	vld [tilespmem:s0+$0x4F0]  }
0x7a: {  	v7 =	vmul.f32 v12, v11;
	v10 =	vld [tilespmem:s0+$0x4550]  }
0x7b: {  	(xrf2) =	vadd.scan.msk.f32 $0xffff, v3;
	v2 =	vadd.f32 v2, v5;
	v3 =	vld [tilespmem:s0+$0x44F0]  }
0x7c: {  	(xrf2) =	vadd.scan.msk.f32 $0xffff, v0;
	v0 =	vadd.f32 v7, v1;
	v1 =	vld [tilespmem:s0+$0x4540]  }
0x7d: {  	v5 =	vmul.f32 v16, v15;
	v7 =	vld [tilespmem:s0+$0x550];
	(xrf2) =	vadd.scan.msk.f32 $0xffff, v2;
	v2 =	vmul.f32 v14, v31  }
0x7e: {  	v14 =	vld [tilespmem:s0+$0x45B0]  }
0x7f: {  	v9, _, _ =	vpop (xrf2);
	(xrf2) =	vadd.scan.msk.f32 $0xffff, v0;
	v2 =	vadd.f32 v5, v2;
	v5 =	vld [tilespmem:s0+$0x45A0]  }
0x80: {  	v6 =	vmul.f32 v6, v22;
	v0, _, _ =	vpop (xrf2);
	v3 =	vmul.f32 v3, v8;
	v8 =	vld [tilespmem:s0+$0x5B0]  }
0x81: {  	v11, _, _ =	vpop (xrf2)  }
0x82: {  	v12, _, _ =	vpop (xrf2);
	v3 =	vadd.f32 v3, v6  }
0x83: {  	(xrf2) =	vadd.scan.msk.f32 $0xffff, v2;
	v2, _, _ =	vpop (xrf2)  }
0x84: {  	v1 =	vmul.f32 v1, v13;
	v7 =	vmul.f32 v10, v7;
	v15, _, _ =	vpop (xrf2)  }
0x85: {  	v4 =	vmul.f32 v5, v4;
	v13, _, _ =	vpop (xrf2);
	v5 =	vmul.f32 v14, v8  }
0x86: {  	v10 =	vld [tilespmem:s0+$0x45E0];
	(xrf2) =	vadd.scan.msk.f32 $0xffff, v3;
	v3, _, _ =	vpop (xrf2)  }
0x87: {  	v6 =	vld [tilespmem:s0+$0x5E0];
	v1 =	vadd.f32 v7, v1;
	v17, _, _ =	vpop (xrf2)  }
0x88: {  	v16 =	vld [tilespmem:s0+$0x5F0];
	v8, _, _ =	vpop (xrf2)  }
0x89: {  	v7 =	vld [tilespmem:s0+$0x45F0];
	(xrf2) =	vadd.scan.msk.f32 $0xffff, v1;
	v1 =	vadd.f32 v5, v4;
	v5, _, _ =	vpop (xrf2)  }
0x8a: {  	v5 =	vbroadcast v5, $0xF;
	_ =	sdelay $0x1  }
0x8b: {  	v4 =	vmul.f32 v10, v6;
	v6 =	vbroadcast v8, $0xF  }
0x8c: {  	v8 =	vbroadcast v17, $0xF;
	(xrf2) =	vadd.scan.msk.f32 $0xffff, v1  }
0x8d: {  	v3 =	vbroadcast v3, $0xF;
	v7 =	vmul.f32 v7, v16;
	v1 =	vsel vm0, v6, v5;
	v5, _, _ =	vpop (xrf2)  }
0x8e: {  	v1 =	vsel vm1, v1, v8;
	v5 =	vbroadcast v5, $0xF  }
0x8f: {  	v4 =	vadd.f32 v7, v4;
	v1 =	vsel vm2, v1, v3;
	v3 =	vbroadcast v13, $0xF  }
0x90: {  	v6, _, _ =	vpop (xrf2);
	v1 =	vsel vm3, v1, v5;
	v5 =	vbroadcast v15, $0xF  }
0x91: {  	(xrf2) =	vadd.scan.msk.f32 $0xffff, v4;
	v1 =	vsel vm4, v1, v3;
	v3 =	vbroadcast v6, $0xF  }
0x92: {  	v2 =	vbroadcast v2, $0xF;
	v1 =	vsel vm5, v1, v5  }
0x93: {  	v4, _, _ =	vpop (xrf2);
	v1 =	vsel vm6, v1, v3;
	v3 =	vbroadcast v12, $0xF  }
0x94: {  	v1 =	vsel vm7, v1, v2;
	v2 =	vbroadcast v4, $0xF  }
0x95: {  	v1 =	vsel vm8, v1, v3;
	v3 =	vbroadcast v11, $0xF  }
0x96: {  	v4, _, _ =	vpop (xrf2);
	v1 =	vsel vm9, v1, v2  }
0x97: {  	v2 =	vbroadcast v0, $0xF;
	v1 =	vsel vm10, v1, v3;
	v3 =	vbroadcast v4, $0xF  }
0x98: {  	v0 =	vld [tilespmem:$0x8600]  }
0x99: {  	v4 =	vbroadcast v9, $0xF;
	v2 =	vsel vm11, v1, v2  }
0x9a: {  	v1 =	vld [tilespmem:$0x8610];
	v2 =	vsel vm12, v2, v3  }
0x9b: {  	v2 =	vsel vm13, v2, v4;
	v3, _, _ =	vpop (xrf2)  }
0x9c: {  	v2 =	vsel vm14, v2, v3  }
0x9d: {  	v2 =	vmul.f32 v2, v0;
	_ =	sdelay $0x1  }
0x9e: {  	v2 =	vadd.f32 v2, v1;
	_ =	sdelay $0x1  }
0x9f: {  	s0 =	simm.s32 $0x200;
	[tilespmem:s29+$0x0] =	vst v2  }
0xa0: {  	v4 =	vld [tilespmem:s0+$0x5C0]  }
0xa1: {  	v5 =	vld [tilespmem:s0+$0x45C0]  }
0xa2: {  	v7 =	vld [tilespmem:s0+$0x5D0]  }
0xa3: {  	v8 =	vld [tilespmem:s0+$0x45D0]  }
0xa4: {  	v2 =	vld [tilespmem:s0+$0x5A0]  }
0xa5: {  	v9 =	vld [tilespmem:s0+$0x580]  }
0xa6: {  	v10 =	vld [tilespmem:s0+$0x4580]  }
0xa7: {  	v11 =	vld [tilespmem:s0+$0x590]  }
0xa8: {  	v12 =	vld [tilespmem:s0+$0x4590]  }
0xa9: {  	v13 =	vld [tilespmem:s0+$0x560]  }
0xaa: {  	v14 =	vld [tilespmem:s0+$0x4560]  }
0xab: {  	v15 =	vld [tilespmem:s0+$0x570]  }
0xac: {  	v16 =	vld [tilespmem:s0+$0x4570]  }
0xad: {  	v3 =	vld [tilespmem:s0+$0x540]  }
0xae: {  	v17 =	vld [tilespmem:s0+$0x520]  }
0xaf: {  	v18 =	vld [tilespmem:s0+$0x4520]  }
0xb0: {  	v19 =	vld [tilespmem:s0+$0x530]  }
0xb1: {  	v20 =	vld [tilespmem:s0+$0x4530]  }
0xb2: {  	v52 =	vld [tilespmem:s0+$0x500]  }
0xb3: {  	v53 =	vld [tilespmem:s0+$0x4500]  }
0xb4: {  	v54 =	vld [tilespmem:s0+$0x510]  }
0xb5: {  	v55 =	vld [tilespmem:s0+$0x4510]  }
0xb6: {  	v6 =	vld [tilespmem:s0+$0x4E0]  }
0xb7: {  	v56 =	vld [tilespmem:s0+$0x4C0]  }
0xb8: {  	v57 =	vld [tilespmem:s0+$0x44C0]  }
0xb9: {  	v58 =	vld [tilespmem:s0+$0x4D0]  }
0xba: {  	v59 =	vld [tilespmem:s0+$0x44D0];
	v4 =	vmul.f32 v5, v4;
	v5 =	vmul.f32 v8, v7  }
0xbb: {  	v60 =	vld [tilespmem:s0+$0x4A0];
	v8 =	vmul.f32 v10, v9;
	v10 =	vmul.f32 v12, v11  }
0xbc: {  	v61 =	vld [tilespmem:s0+$0x44A0];
	v4 =	vadd.f32 v5, v4  }
0xbd: {  	v62 =	vld [tilespmem:s0+$0x4450];
	v11 =	vmul.f32 v16, v15;
	v5 =	vmul.f32 v14, v13;
	v8 =	vadd.f32 v10, v8  }
0xbe: {  	v7 =	vld [tilespmem:s0+$0x4B0];
	v10 =	vmul.f32 v18, v17;
	v13 =	vmul.f32 v20, v19;
	(xrf2) =	vadd.scan.msk.f32 $0xffff, v4  }
0xbf: {  	v12 =	vld [tilespmem:s0+$0x44B0];
	v4 =	vadd.f32 v11, v5;
	(xrf2) =	vadd.scan.msk.f32 $0xffff, v8  }
0xc0: {  	v9 =	vld [tilespmem:s0+$0x480];
	v5 =	vadd.f32 v13, v10  }
0xc1: {  	v15 =	vld [tilespmem:s0+$0x460];
	(xrf2) =	vadd.scan.msk.f32 $0xffff, v4  }
0xc2: {  	v16 =	vld [tilespmem:s0+$0x4460];
	v4 =	vmul.f32 v53, v52;
	(xrf2) =	vadd.scan.msk.f32 $0xffff, v5;
	v5 =	vmul.f32 v55, v54  }
0xc3: {  	v18 =	vld [tilespmem:s0+$0x440]  }
0xc4: {  	v13 =	vld [tilespmem:s0+$0x4470];
	v5 =	vadd.f32 v5, v4  }
0xc5: {  	v14 =	vmul.f32 v57, v56;
	v17 =	vmul.f32 v59, v58;
	v8 =	vld [tilespmem:s0+$0x470]  }
0xc6: {  	v19 =	vld [tilespmem:s0+$0x4440];
	(xrf2) =	vadd.scan.msk.f32 $0xffff, v5  }
0xc7: {  	v20 =	vld [tilespmem:s0+$0x450];
	v17 =	vadd.f32 v17, v14  }
0xc8: {  	v63 =	vmul.f32 v61, v60;
	v10 =	vld [tilespmem:s0+$0x4400];
	v7 =	vmul.f32 v12, v7;
	v4, _, _ =	vpop (xrf2)  }
0xc9: {  	v11 =	vld [tilespmem:s0+$0x400];
	v5, _, _ =	vpop (xrf2);
	(xrf2) =	vadd.scan.msk.f32 $0xffff, v17  }
0xca: {  	v14 =	vld [tilespmem:s0+$0x4410];
	v21 =	vadd.f32 v7, v63;
	v8 =	vmul.f32 v13, v8  }
0xcb: {  	v12 =	vld [tilespmem:s0+$0x410];
	v16 =	vmul.f32 v16, v15  }
0xcc: {  	v15 =	vld [tilespmem:s0+$0x4420];
	(xrf2) =	vadd.scan.msk.f32 $0xffff, v21  }
0xcd: {  	v13 =	vld [tilespmem:s0+$0x420];
	v17 =	vadd.f32 v8, v16;
	v7, _, _ =	vpop (xrf2)  }
0xce: {  	s2 =	simm.s32 $0x1000;
	s31 =	simm.s32 $0x8400;
	v18 =	vmul.f32 v19, v18;
	v19 =	vmul.f32 v62, v20;
	v16 =	vld [tilespmem:s0+$0x430];
	v8, _, _ =	vpop (xrf2)  }
.LBB2_2:
0xcf: {  	p0 =	sne.s32 s2, $0xF800;
	v20 =	vld [tilespmem:s0+$0x4430];
	(xrf2) =	vadd.scan.msk.f32 $0xffff, v17  }
0xd0: {  	v21 =	vadd.f32 v19, v18;
	v18 =	vld [tilespmem:s0+$0x4480];
	v19, _, _ =	vpop (xrf2)  }
0xd1: {  	v10 =	vmul.f32 v10, v11;
	v11 =	vmul.f32 v14, v12;
	v12 =	vld [tilespmem:s0+$0x490]  }
0xd2: {  	v14 =	vld [tilespmem:s0+$0x4490];
	(xrf2) =	vadd.scan.msk.f32 $0xffff, v21  }
0xd3: {  	v10 =	vadd.f32 v11, v10;
	v11 =	vld [tilespmem:s0+$0x44E0];
	v17, _, _ =	vpop (xrf2)  }
0xd4: {  	v13 =	vmul.f32 v15, v13;
	v21 =	vmul.f32 v20, v16;
	v16 =	vld [tilespmem:s0+$0x4F0]  }
0xd5: {  	v20 =	vld [tilespmem:s0+$0x44F0];
	(xrf2) =	vadd.scan.msk.f32 $0xffff, v10  }
0xd6: {  	v10 =	vadd.f32 v21, v13;
	v13 =	vld [tilespmem:s0+$0x4540];
	v15, _, _ =	vpop (xrf2)  }
0xd7: {  	v9 =	vmul.f32 v18, v9;
	v21 =	vmul.f32 v14, v12;
	v14 =	vld [tilespmem:s0+$0x550]  }
0xd8: {  	v18 =	vld [tilespmem:s0+$0x4550];
	(xrf2) =	vadd.scan.msk.f32 $0xffff, v10  }
0xd9: {  	v9 =	vadd.f32 v21, v9;
	v10 =	vld [tilespmem:s0+$0x45A0];
	v12, _, _ =	vpop (xrf2)  }
0xda: {  	v6 =	vmul.f32 v11, v6;
	v21 =	vmul.f32 v20, v16;
	v16 =	vld [tilespmem:s0+$0x5B0]  }
0xdb: {  	v20 =	vld [tilespmem:s0+$0x45B0];
	(xrf2) =	vadd.scan.msk.f32 $0xffff, v9  }
0xdc: {  	v6 =	vadd.f32 v21, v6;
	v9 =	vld [tilespmem:s0+$0x5E0];
	v11, _, _ =	vpop (xrf2)  }
0xdd: {  	v3 =	vmul.f32 v13, v3;
	v21 =	vmul.f32 v18, v14;
	v14 =	vld [tilespmem:s0+$0x45E0]  }
0xde: {  	v18 =	vld [tilespmem:s0+$0x5F0];
	(xrf2) =	vadd.scan.msk.f32 $0xffff, v6  }
0xdf: {  	v3 =	vadd.f32 v21, v3;
	v6 =	vld [tilespmem:s0+$0x45F0];
	v13, _, _ =	vpop (xrf2)  }
0xe0: {  	v2 =	vmul.f32 v10, v2;
	v10 =	vmul.f32 v20, v16  }
0xe1: {  	(xrf2) =	vadd.scan.msk.f32 $0xffff, v3  }
0xe2: {  	v2 =	vadd.f32 v10, v2;
	v3 =	vmul.f32 v14, v9;
	v9, _, _ =	vpop (xrf2)  }
0xe3: {  	v13 =	vbroadcast v13, $0xF;
	v9 =	vbroadcast v9, $0xF  }
0xe4: {  	v11 =	vbroadcast v11, $0xF;
	v6 =	vmul.f32 v6, v18;
	(xrf2) =	vadd.scan.msk.f32 $0xffff, v2  }
0xe5: {  	v2 =	vsel vm0, v13, v9;
	v9 =	vbroadcast v12, $0xF;
	v10, _, _ =	vpop (xrf2)  }
0xe6: {  	v2 =	vsel vm1, v2, v11;
	v11 =	vbroadcast v10, $0xF;
	v3 =	vadd.f32 v6, v3  }
0xe7: {  	v6 =	vbroadcast v15, $0xF;
	v2 =	vsel vm2, v2, v9  }
0xe8: {  	v9 =	vbroadcast v17, $0xF;
	v2 =	vsel vm3, v2, v11;
	v10, _, _ =	vpop (xrf2);
	(xrf2) =	vadd.scan.msk.f32 $0xffff, v3  }
0xe9: {  	v2 =	vsel vm4, v2, v6;
	v3 =	vbroadcast v10, $0xF  }
0xea: {  	v6 =	vbroadcast v19, $0xF;
	v2 =	vsel vm5, v2, v9  }
0xeb: {  	v2 =	vsel vm6, v2, v3;
	v3 =	vbroadcast v8, $0xF;
	v8, _, _ =	vpop (xrf2)  }
0xec: {  	v2 =	vsel vm7, v2, v6;
	v8 =	vbroadcast v8, $0xF  }
0xed: {  	v2 =	vsel vm8, v2, v3;
	v3 =	vbroadcast v7, $0xF  }
0xee: {  	v5 =	vbroadcast v5, $0xF;
	v2 =	vsel vm9, v2, v8;
	v6, _, _ =	vpop (xrf2)  }
0xef: {  	v2 =	vsel vm10, v2, v3;
	v6 =	vbroadcast v6, $0xF  }
0xf0: {  	v4 =	vbroadcast v4, $0xF;
	v2 =	vsel vm11, v2, v5  }
0xf1: {  	v2 =	vsel vm12, v2, v6  }
0xf2: {  	v2 =	vsel vm13, v2, v4;
	v3, _, _ =	vpop (xrf2)  }
0xf3: {  	v2 =	vsel vm14, v2, v3  }
0xf4: {  	v2 =	vmul.f32 v2, v0;
	_ =	sdelay $0x1  }
0xf5: {  	v2 =	vadd.f32 v2, v1  }
0xf6: {  	s31 =	sadd.s32 $0x10, s31  }
0xf7: {  	s0 =	sshra.s32 s2, $0x2;
	[tilespmem:s31+$0x0] =	vst v2  }
0xf8: {  	v4 =	vld [tilespmem:s0+$0x5C0]  }
0xf9: {  	v5 =	vld [tilespmem:s0+$0x45C0]  }
0xfa: {  	v7 =	vld [tilespmem:s0+$0x5D0]  }
0xfb: {  	v8 =	vld [tilespmem:s0+$0x45D0]  }
0xfc: {  	v2 =	vld [tilespmem:s0+$0x5A0]  }
0xfd: {  	v9 =	vld [tilespmem:s0+$0x580]  }
0xfe: {  	v10 =	vld [tilespmem:s0+$0x4580]  }
0xff: {  	v11 =	vld [tilespmem:s0+$0x590]  }
0x100: {  	v12 =	vld [tilespmem:s0+$0x4590]  }
0x101: {  	v13 =	vld [tilespmem:s0+$0x560]  }
0x102: {  	v14 =	vld [tilespmem:s0+$0x4560]  }
0x103: {  	v15 =	vld [tilespmem:s0+$0x570]  }
0x104: {  	v16 =	vld [tilespmem:s0+$0x4570]  }
0x105: {  	v3 =	vld [tilespmem:s0+$0x540]  }
0x106: {  	v17 =	vld [tilespmem:s0+$0x520]  }
0x107: {  	v18 =	vld [tilespmem:s0+$0x4520]  }
0x108: {  	v19 =	vld [tilespmem:s0+$0x530]  }
0x109: {  	v20 =	vld [tilespmem:s0+$0x4530]  }
0x10a: {  	v21 =	vld [tilespmem:s0+$0x500]  }
0x10b: {  	v22 =	vld [tilespmem:s0+$0x4500]  }
0x10c: {  	v23 =	vld [tilespmem:s0+$0x510]  }
0x10d: {  	v24 =	vld [tilespmem:s0+$0x4510]  }
0x10e: {  	v4 =	vmul.f32 v5, v4;
	v5 =	vmul.f32 v8, v7;
	v6 =	vld [tilespmem:s0+$0x4E0]  }
0x10f: {  	v7 =	vld [tilespmem:s0+$0x4C0]  }
0x110: {  	v4 =	vadd.f32 v5, v4;
	v8 =	vld [tilespmem:s0+$0x44C0]  }
0x111: {  	v9 =	vmul.f32 v10, v9;
	v10 =	vmul.f32 v12, v11;
	v5 =	vld [tilespmem:s0+$0x4D0]  }
0x112: {  	v11 =	vld [tilespmem:s0+$0x44D0];
	(xrf2) =	vadd.scan.msk.f32 $0xffff, v4  }
0x113: {  	v4 =	vadd.f32 v10, v9;
	v12 =	vld [tilespmem:s0+$0x4A0]  }
0x114: {  	v9 =	vmul.f32 v14, v13;
	v10 =	vmul.f32 v16, v15;
	v25 =	vld [tilespmem:s0+$0x44A0]  }
0x115: {  	v13 =	vld [tilespmem:s0+$0x4B0];
	(xrf2) =	vadd.scan.msk.f32 $0xffff, v4  }
0x116: {  	v4 =	vadd.f32 v10, v9;
	v14 =	vld [tilespmem:s0+$0x44B0]  }
0x117: {  	v15 =	vmul.f32 v20, v19;
	v10 =	vmul.f32 v18, v17;
	v9 =	vld [tilespmem:s0+$0x480]  }
0x118: {  	v16 =	vld [tilespmem:s0+$0x460];
	(xrf2) =	vadd.scan.msk.f32 $0xffff, v4  }
0x119: {  	v26 =	vadd.f32 v15, v10;
	v17 =	vld [tilespmem:s0+$0x4460]  }
0x11a: {  	v18 =	vmul.f32 v24, v23;
	v10 =	vmul.f32 v22, v21;
	v15 =	vld [tilespmem:s0+$0x470]  }
0x11b: {  	v19 =	vld [tilespmem:s0+$0x4470];
	(xrf2) =	vadd.scan.msk.f32 $0xffff, v26  }
0x11c: {  	v10 =	vadd.f32 v18, v10;
	v20 =	vld [tilespmem:s0+$0x440];
	v4, _, _ =	vpop (xrf2)  }
0x11d: {  	v7 =	vmul.f32 v8, v7;
	v8 =	vmul.f32 v11, v5;
	v18 =	vld [tilespmem:s0+$0x4440]  }
0x11e: {  	v21 =	vld [tilespmem:s0+$0x450];
	(xrf2) =	vadd.scan.msk.f32 $0xffff, v10  }
0x11f: {  	v23 =	vadd.f32 v8, v7;
	v22 =	vld [tilespmem:s0+$0x4450];
	v5, _, _ =	vpop (xrf2)  }
0x120: {  	v8 =	vmul.f32 v25, v12;
	v13 =	vmul.f32 v14, v13;
	v10 =	vld [tilespmem:s0+$0x4400]  }
0x121: {  	v11 =	vld [tilespmem:s0+$0x400];
	(xrf2) =	vadd.scan.msk.f32 $0xffff, v23  }
.Ltmp0:
0x122: {  	v23 =	vadd.f32 v13, v8;
	v12 =	vld [tilespmem:s0+$0x410];
	v7, _, _ =	vpop (xrf2);
	(pc) =	sbr.rel @p0 .LBB2_2-.Ltmp0, $4  }
0x123: {  	v16 =	vmul.f32 v17, v16;
	v17 =	vmul.f32 v19, v15;
	v14 =	vld [tilespmem:s0+$0x4410]  }
0x124: {  	v13 =	vld [tilespmem:s0+$0x420];
	(xrf2) =	vadd.scan.msk.f32 $0xffff, v23  }
0x125: {  	v17 =	vadd.f32 v17, v16;
	v15 =	vld [tilespmem:s0+$0x4420];
	v8, _, _ =	vpop (xrf2)  }
0x126: {  	s2 =	sadd.s32 $0x800, s2;
	v18 =	vmul.f32 v18, v20;
	v19 =	vmul.f32 v22, v21;
	v16 =	vld [tilespmem:s0+$0x430]  }
0x127: {  	v20 =	vld [tilespmem:s0+$0x4430]  }
0x128: {  	v21 =	vld [tilespmem:s0+$0x4480]  }
0x129: {  	v22 =	vld [tilespmem:s0+$0x490]  }
0x12a: {  	v23 =	vld [tilespmem:s0+$0x4490]  }
0x12b: {  	v10 =	vmul.f32 v10, v11;
	v62 =	vld [tilespmem:s0+$0x44E0];
	v61 =	vmul.f32 v14, v12  }
0x12c: {  	v24 =	vld [tilespmem:s0+$0x4F0];
	v63 =	vadd.f32 v19, v18;
	v13 =	vmul.f32 v15, v13;
	v20 =	vmul.f32 v20, v16  }
0x12d: {  	(xrf2) =	vadd.scan.msk.f32 $0xffff, v17;
	v25 =	vld [tilespmem:s0+$0x44F0];
	v10 =	vadd.f32 v61, v10  }
0x12e: {  	v26 =	vld [tilespmem:s0+$0x4540];
	(xrf2) =	vadd.scan.msk.f32 $0xffff, v63;
	v13 =	vadd.f32 v20, v13  }
0x12f: {  	v28 =	vld [tilespmem:s0+$0x550];
	(xrf2) =	vadd.scan.msk.f32 $0xffff, v10;
	v9 =	vmul.f32 v21, v9;
	v27 =	vmul.f32 v23, v22  }
0x130: {  	v29 =	vld [tilespmem:s0+$0x4550];
	(xrf2) =	vadd.scan.msk.f32 $0xffff, v13  }
0x131: {  	v30 =	vld [tilespmem:s0+$0x45A0];
	v9 =	vadd.f32 v27, v9  }
0x132: {  	v31 =	vld [tilespmem:s0+$0x5B0];
	v6 =	vmul.f32 v62, v6;
	v11 =	vmul.f32 v25, v24  }
0x133: {  	v32 =	vld [tilespmem:s0+$0x45B0];
	(xrf2) =	vadd.scan.msk.f32 $0xffff, v9  }
0x134: {  	v34 =	vld [tilespmem:s0+$0x5E0];
	v33, _, _ =	vpop (xrf2);
	v6 =	vadd.f32 v11, v6  }
0x135: {  	v37 =	vld [tilespmem:s0+$0x45E0];
	v35, _, _ =	vpop (xrf2);
	v3 =	vmul.f32 v26, v3;
	v36 =	vmul.f32 v29, v28  }
0x136: {  	v39 =	vld [tilespmem:s0+$0x5F0];
	v38, _, _ =	vpop (xrf2);
	(xrf2) =	vadd.scan.msk.f32 $0xffff, v6  }
0x137: {  	v41 =	vld [tilespmem:s0+$0x45F0];
	v3 =	vadd.f32 v36, v3;
	v40, _, _ =	vpop (xrf2)  }
0x138: {  	v2 =	vmul.f32 v30, v2;
	v43 =	vmul.f32 v32, v31;
	v42, _, _ =	vpop (xrf2)  }
0x139: {  	(xrf2) =	vadd.scan.msk.f32 $0xffff, v3;
	v44, _, _ =	vpop (xrf2)  }
0x13a: {  	v45 =	vmul.f32 v37, v34;
	v2 =	vadd.f32 v43, v2;
	v46, _, _ =	vpop (xrf2)  }
0x13b: {  	v47 =	vbroadcast v44, $0xF;
	v10 =	vbroadcast v46, $0xF  }
0x13c: {  	v49 =	vmul.f32 v41, v39;
	(xrf2) =	vadd.scan.msk.f32 $0xffff, v2;
	v48 =	vbroadcast v42, $0xF  }
0x13d: {  	v6 =	vbroadcast v40, $0xF;
	v51, _, _ =	vpop (xrf2);
	v50 =	vsel vm0, v47, v10  }
0x13e: {  	v3 =	vadd.f32 v49, v45;
	v10 =	vbroadcast v51, $0xF;
	v2 =	vsel vm1, v50, v48  }
0x13f: {  	v52 =	vbroadcast v38, $0xF;
	v2 =	vsel vm2, v2, v6  }
0x140: {  	v53 =	vbroadcast v35, $0xF;
	v54, _, _ =	vpop (xrf2);
	(xrf2) =	vadd.scan.msk.f32 $0xffff, v3;
	v2 =	vsel vm3, v2, v10  }
0x141: {  	v55 =	vbroadcast v54, $0xF;
	v2 =	vsel vm4, v2, v52  }
0x142: {  	v56 =	vbroadcast v33, $0xF;
	v2 =	vsel vm5, v2, v53  }
0x143: {  	v57 =	vbroadcast v8, $0xF;
	v58, _, _ =	vpop (xrf2);
	v2 =	vsel vm6, v2, v55  }
0x144: {  	v59 =	vbroadcast v58, $0xF;
	v2 =	vsel vm7, v2, v56  }
0x145: {  	v60 =	vbroadcast v7, $0xF;
	v2 =	vsel vm8, v2, v57  }
0x146: {  	v5 =	vbroadcast v5, $0xF;
	v61, _, _ =	vpop (xrf2);
	v2 =	vsel vm9, v2, v59  }
0x147: {  	v62 =	vbroadcast v61, $0xF;
	v2 =	vsel vm10, v2, v60  }
0x148: {  	v4 =	vbroadcast v4, $0xF;
	v2 =	vsel vm11, v2, v5  }
0x149: {  	v2 =	vsel vm12, v2, v62  }
0x14a: {  	v63, _, _ =	vpop (xrf2);
	v2 =	vsel vm13, v2, v4  }
0x14b: {  	v2 =	vsel vm14, v2, v63  }
0x14c: {  	v0 =	vmul.f32 v2, v0;
	_ =	sdelay $0x1  }
0x14d: {  	s30 =	sadd.s32 $0x1, s30;
	v0 =	vadd.f32 v0, v1  }
0x14e: {  	s31 =	sadd.s32 $0x10, s31;
	p0 =	sne.s32 s30, s9  }
.Ltmp1:
0x14f: {  	[tilespmem:s31+$0x0] =	vst v0;
	(pc) =	sbr.rel @p0 .LBB2_1-.Ltmp1, $4  }
0x150: {  	[hbm4b:s8+s1] =	stream.linear.scatter [tilespmem:s29], [sflag:$0x2], $0x200, $0x38;
	[tilespmem:$0x8620] =	vst v63  }
0x151: {  	_ =	swait.ge [sflag:s10], $0x200  }
0x152: {  	[sflag:s10] =	ssyncset.done $0x0  }
0x153: {  	[sflag:s10] =	ssyncadd.s32 $0xFFFFFE00  }
0x154: {  	_ =	sfence.sel $0x180000  }
0x155: {  	[bflag:$0x0] =	sbarrier.arrive $0xFFFF  }
0x156: {  	_ =	strace $0x90000047  }
0x157: {  	s0 =	stileid.u32;
	[bflag:$0x2] =	sbarrier.arrive $0xFFFF  }
0x158: {  	p0 =	sne.s32 s0, $0x0;
	s0 =	rddreg [dreg:$0x4]  }
0x159: {  	s0 =	sadd.s32 @!p0 $0x100000, s0  }
0x15a: {  	[sflag:s0] =	ssyncadd.tile.s32 @!p0 $0x1;
	_ =	shalt  }
.Lfunc_end2:
_tile_overlayer_lowered:
.L_overlay_start_2:
0x15b: {  	(tag) =	ssettag $0x2  }
0x15c: {  	s0 =	rddreg [dreg:$0x0];
	s2 =	stileid.u32  }
0x15d: {  	s1 =	rddreg [dreg:$0x1];
	p0 =	sne.s32 s2, $0x0  }
0x15e: {  	s3 =	rddreg [dreg:$0x2];
	[bflag:$0x3] =	sbarrier.arrive $0xFFFF;
	s2 =	simm.s32 @!p0 $0x1C02  }
0x15f: {  	[timem:s3], [sflag:s2] =	dma.local @!p0 [hbm:s0], s1  }
0x160: {  	s0 =	simm.s32 @!p0 $0x2  }
0x161: {  	_ =	swait.ge @!p0 [sflag:s0], s1  }
0x162: {  	s1 =	ssub.s32 @!p0 $0x0, s1;
	[sflag:s0] =	ssyncset.done @!p0 $0x0  }
0x163: {  	[sflag:s0] =	ssyncadd.s32 @!p0 s1  }
0x164: {  	[bflag:$0x3] =	sbarrier.arrive $0xFFFF  }
0x165: {  	_ =	shalt  }

</sc_bundles>
